<compile_context>
chip_gen: v7x
topology: tpu7x:2x2x1
jax: 0.10.2.dev20260603
libtpu: 0.0.44.dev20260713+nightly
codegen_flags: <defaults>
</compile_context>

<pallas_src>
import functools

import jax
import jax.numpy as jnp
from jax import lax
from jax.experimental import pallas as pl
from jax.experimental.pallas import tpu as pltpu
from jax.experimental.pallas import tpu_sc as plsc

HIDDEN = 768
EPS = 1e-12
NC, NS = 2, 16
NW = NC * NS
CHUNK = 64
TCBLK = 256


@functools.lru_cache(maxsize=None)
def _build_gather(ntok):
    tok_per_w = ntok // NW
    nchunk = tok_per_w // CHUNK
    mesh = plsc.VectorSubcoreMesh(core_axis_name="c", subcore_axis_name="s")

    @functools.partial(
        pl.kernel,
        mesh=mesh,
        out_type=jax.ShapeDtypeStruct((ntok, HIDDEN), jnp.float32),
        scratch_types=[
            pltpu.VMEM((nchunk, CHUNK), jnp.int32),
            pltpu.VMEM((2, CHUNK, HIDDEN), jnp.float32),
            pltpu.SemaphoreType.DMA,
            pltpu.SemaphoreType.DMA,
        ],
    )
    def body(ids_hbm, tab_hbm, out_hbm, idx_v, buf_v, gsem, wsem):
        wid = lax.axis_index("s") * NC + lax.axis_index("c")
        tok0 = wid * tok_per_w
        pltpu.sync_copy(ids_hbm.at[wid], idx_v)

        cur_g = pltpu.async_copy(tab_hbm.at[idx_v.at[0]], buf_v.at[0], gsem)
        prev_w = None
        for g in range(nchunk):
            cur_g.wait()
            if prev_w is not None:
                prev_w.wait()
            prev_w = pltpu.async_copy(
                buf_v.at[g % 2], out_hbm.at[pl.ds(tok0 + g * CHUNK, CHUNK)],
                wsem)
            if g + 1 < nchunk:
                cur_g = pltpu.async_copy(
                    tab_hbm.at[idx_v.at[g + 1]], buf_v.at[(g + 1) % 2], gsem)
        prev_w.wait()

    return body


def _ln_body(rows_ref, pos_ref, gam_ref, bet_ref, out_ref):
    x = rows_ref[...] + pos_ref[...]
    ones = jnp.ones((HIDDEN, 128), jnp.float32)
    s = jnp.dot(x, ones)[:, 0:1]
    q = jnp.dot(x * x, ones)[:, 0:1]
    m = s * (1.0 / HIDDEN)
    var = q * (1.0 / HIDDEN) - m * m
    inv = lax.rsqrt(var + EPS)
    out_ref[...] = (x - m) * inv * gam_ref[...] + bet_ref[...]


@functools.lru_cache(maxsize=None)
def _build_ln(ntok, seq):
    nposblk = seq // TCBLK
    return pl.pallas_call(
        _ln_body,
        grid=(ntok // TCBLK,),
        in_specs=[
            pl.BlockSpec((TCBLK, HIDDEN), lambda i: (i, 0)),
            pl.BlockSpec((TCBLK, HIDDEN), lambda i: (i % nposblk, 0)),
            pl.BlockSpec((1, HIDDEN), lambda i: (0, 0)),
            pl.BlockSpec((1, HIDDEN), lambda i: (0, 0)),
        ],
        out_specs=pl.BlockSpec((TCBLK, HIDDEN), lambda i: (i, 0)),
        out_shape=jax.ShapeDtypeStruct((ntok, HIDDEN), jnp.float32),
    )


def kernel(input_ids, word_embeddings, position_embeddings, ln_gamma, ln_beta):
    b, s = input_ids.shape
    ntok = b * s
    ids = input_ids.astype(jnp.int32).reshape(NW, -1, CHUNK)
    rows = _build_gather(ntok)(ids, word_embeddings)
    out = _build_ln(ntok, s)(rows, position_embeddings,
                             ln_gamma[None], ln_beta[None])
    return out.reshape(b, s, HIDDEN)

# --- scband reference (transcript-rebuilt; emitter-appended) ---
"""Pipeline reference for scband-tfblip-text-embeddings-55327768708160 (READ-ONLY COPY).

The authoritative reference and input builder live on the scoring server;
editing this copy changes nothing except your own understanding.
"""

import jax, jax.numpy as jnp
import numpy as np

VOCAB = 30524
HIDDEN = 768
MAX_POS = 2048
BATCH = 4
SEQ = 2048
EPS = 1e-12

def setup_inputs(seed: int = 0) -> dict:
    key = jax.random.key(seed)
    k1, k2, k3 = jax.random.split(key, 3)
    input_ids = jax.random.randint(k1, (BATCH, SEQ), 0, VOCAB, dtype=jnp.int32).astype(jnp.int64)
    word_embeddings = jax.random.normal(k2, (VOCAB, HIDDEN), dtype=jnp.float32) * 0.02
    position_embeddings = jax.random.normal(k3, (MAX_POS, HIDDEN), dtype=jnp.float32) * 0.02
    ln_gamma = jnp.ones((HIDDEN,), dtype=jnp.float32)
    ln_beta = jnp.zeros((HIDDEN,), dtype=jnp.float32)
    return {"input_ids": input_ids, "word_embeddings": word_embeddings, "position_embeddings": position_embeddings, "ln_gamma": ln_gamma, "ln_beta": ln_beta}

def reference(input_ids, word_embeddings, position_embeddings, ln_gamma, ln_beta):
    past_key_values_length = 0
    seq_length = input_ids.shape[1]
    position_ids = jnp.arange(MAX_POS)[None, :][:, past_key_values_length:seq_length + past_key_values_length]
    inputs_embeds = jnp.take(word_embeddings, input_ids, axis=0)
    embeddings = inputs_embeds
    # absolute position embeddings
    pos_emb = jnp.take(position_embeddings, position_ids, axis=0)
    embeddings = embeddings + pos_emb
    # LayerNorm over last axis
    mean = jnp.mean(embeddings, axis=-1, keepdims=True)
    var = jnp.mean(jnp.square(embeddings - mean), axis=-1, keepdims=True)
    normed = (embeddings - mean) / jnp.sqrt(var + EPS)
    out = normed * ln_gamma + ln_beta
    # dropout is identity at inference (training=None/False)
    return out

if __name__ == "__main__":
    import jax
    _d = setup_inputs()
    print(jax.jit(kernel)(*tuple(_d.values())))

</pallas_src>

<mosaic_0001>
#map = affine_map<(d0, d1) -> (0, 0, 0)>
#map1 = affine_map<(d0, d1) -> (0, 0)>
module attributes {stable_mosaic.version = 14 : i64} {
  func.func @body(%arg0: i32, %arg1: i32, %arg2: memref<32x4x64xi32, #tpu.memory_space<hbm>>, %arg3: memref<30524x768xf32, #tpu.memory_space<hbm>>, %arg4: memref<8192x768xf32, #tpu.memory_space<hbm>>, %arg5: memref<4x64xi32, #tpu.memory_space<vmem>>, %arg6: memref<2x64x768xf32, #tpu.memory_space<vmem>>, %arg7: memref<!tpu.dma_semaphore, #tpu.memory_space<semaphore_mem>>, %arg8: memref<!tpu.dma_semaphore, #tpu.memory_space<semaphore_mem>>) attributes {dimension_semantics = [#tpu.dimension_semantics<core_parallel>, #tpu.dimension_semantics<subcore_parallel>], iteration_bounds = array<i64: 2, 16>, scalar_prefetch = 0 : i64, scratch_operands = 4 : i64, tpu.core_type = #tpu.core_type<sc_vector_subcore>, window_params = [{transform_indices = #map}, {transform_indices = #map1}, {transform_indices = #map1}]} {
    %mul3A = arith.constant 2 : i32
    %mul3A_0 = arith.muli %arg1, %mul3A : i32
    %add3A = arith.addi %mul3A_0, %arg0 : i32
    %mul3A_1 = arith.constant 256 : i32
    %mul3A_2 = arith.muli %add3A, %mul3A_1 : i32
    "tpu.region"() ({
      %run_scoped3A = tpu.sem_alloc : memref<!tpu.dma_semaphore, #tpu.memory_space<semaphore_mem>>
      %dma_start3A_209 = arith.constant 0 : i32
      %dma_start3A_210 = arith.constant 0 : i32
      %dma_start3A_211 = tpu.memref_slice %arg2[%add3A, %dma_start3A_209, %dma_start3A_210] : memref<32x4x64xi32, #tpu.memory_space<hbm>> -> memref<1x4x64xi32, #tpu.memory_space<hbm>>
      %dma_start3A_212 = tpu.memref_squeeze %dma_start3A_211 : memref<1x4x64xi32, #tpu.memory_space<hbm>> -> memref<4x64xi32, #tpu.memory_space<hbm>>
      %dma_start3A_213 = arith.constant 0 : i32
      %dma_start3A_214 = arith.constant 0 : i32
      %dma_start3A_215 = tpu.memref_slice %arg2[%add3A, %dma_start3A_213, %dma_start3A_214] : memref<32x4x64xi32, #tpu.memory_space<hbm>> -> memref<1x4x64xi32, #tpu.memory_space<hbm>>
      %dma_start3A_216 = tpu.memref_squeeze %dma_start3A_215 : memref<1x4x64xi32, #tpu.memory_space<hbm>> -> memref<4x64xi32, #tpu.memory_space<hbm>>
      tpu.enqueue_dma source(%dma_start3A_216 : memref<4x64xi32, #tpu.memory_space<hbm>>) target(%arg5 : memref<4x64xi32, #tpu.memory_space<vmem>>) target_semaphore(%run_scoped3A : memref<!tpu.dma_semaphore, #tpu.memory_space<semaphore_mem>>)
      %dma_wait3A_217 = arith.constant 0 : i32
      %dma_wait3A_218 = arith.constant 0 : i32
      %dma_wait3A_219 = tpu.memref_slice %arg2[%add3A, %dma_wait3A_217, %dma_wait3A_218] : memref<32x4x64xi32, #tpu.memory_space<hbm>> -> memref<1x4x64xi32, #tpu.memory_space<hbm>>
      %dma_wait3A_220 = tpu.memref_squeeze %dma_wait3A_219 : memref<1x4x64xi32, #tpu.memory_space<hbm>> -> memref<4x64xi32, #tpu.memory_space<hbm>>
      %dma_wait3A_221 = arith.constant 0 : i32
      %dma_wait3A_222 = arith.constant 0 : i32
      %dma_wait3A_223 = tpu.memref_slice %arg2[%add3A, %dma_wait3A_221, %dma_wait3A_222] : memref<32x4x64xi32, #tpu.memory_space<hbm>> -> memref<1x4x64xi32, #tpu.memory_space<hbm>>
      %dma_wait3A_224 = tpu.memref_squeeze %dma_wait3A_223 : memref<1x4x64xi32, #tpu.memory_space<hbm>> -> memref<4x64xi32, #tpu.memory_space<hbm>>
      tpu.wait_dma2 semaphore(%run_scoped3A : memref<!tpu.dma_semaphore, #tpu.memory_space<semaphore_mem>>) src(%dma_wait3A_224 : memref<4x64xi32, #tpu.memory_space<hbm>>) dst(%arg5 : memref<4x64xi32, #tpu.memory_space<vmem>>)
      tpu.yield
    }) : () -> ()
    %dma_start3A = arith.constant 0 : i32
    %dma_start3A_3 = arith.constant 0 : i32
    %dma_start3A_4 = arith.constant 0 : i32
    %dma_start3A_5 = arith.constant 0 : i32
    %dma_start3A_6 = tpu.memref_slice %arg6[%dma_start3A_3, %dma_start3A_4, %dma_start3A_5] : memref<2x64x768xf32, #tpu.memory_space<vmem>> -> memref<1x64x768xf32, #tpu.memory_space<vmem>>
    %dma_start3A_7 = tpu.memref_squeeze %dma_start3A_6 : memref<1x64x768xf32, #tpu.memory_space<vmem>> -> memref<64x768xf32, #tpu.memory_space<vmem>>
    %dma_start3A_8 = arith.constant 0 : i32
    %dma_start3A_9 = tpu.memref_slice %arg5[%dma_start3A, %dma_start3A_8] : memref<4x64xi32, #tpu.memory_space<vmem>> -> memref<1x64xi32, #tpu.memory_space<vmem>>
    %dma_start3A_10 = tpu.memref_squeeze %dma_start3A_9 : memref<1x64xi32, #tpu.memory_space<vmem>> -> memref<64xi32, #tpu.memory_space<vmem>>
    %dma_start3A_11 = arith.constant 0 : i32
    %dma_start3A_12 = arith.constant 0 : i32
    %dma_start3A_13 = tpu.memref_slice %arg3[%dma_start3A_11, %dma_start3A_12] : memref<30524x768xf32, #tpu.memory_space<hbm>> -> memref<30524x768xf32, #tpu.memory_space<hbm>>
    tpu.enqueue_indirect_dma source(%dma_start3A_13 : memref<30524x768xf32, #tpu.memory_space<hbm>>) target(%dma_start3A_7 : memref<64x768xf32, #tpu.memory_space<vmem>>) offsets(%dma_start3A_10 : memref<64xi32, #tpu.memory_space<vmem>>) semaphore(%arg7 : memref<!tpu.dma_semaphore, #tpu.memory_space<semaphore_mem>>)
    %dma_wait3A = arith.constant 0 : i32
    %dma_wait3A_14 = arith.constant 0 : i32
    %dma_wait3A_15 = arith.constant 0 : i32
    %dma_wait3A_16 = arith.constant 0 : i32
    %dma_wait3A_17 = tpu.memref_slice %arg6[%dma_wait3A_14, %dma_wait3A_15, %dma_wait3A_16] : memref<2x64x768xf32, #tpu.memory_space<vmem>> -> memref<1x64x768xf32, #tpu.memory_space<vmem>>
    %dma_wait3A_18 = tpu.memref_squeeze %dma_wait3A_17 : memref<1x64x768xf32, #tpu.memory_space<vmem>> -> memref<64x768xf32, #tpu.memory_space<vmem>>
    %dma_wait3A_19 = arith.constant 0 : i32
    %dma_wait3A_20 = tpu.memref_slice %arg5[%dma_wait3A, %dma_wait3A_19] : memref<4x64xi32, #tpu.memory_space<vmem>> -> memref<1x64xi32, #tpu.memory_space<vmem>>
    %dma_wait3A_21 = tpu.memref_squeeze %dma_wait3A_20 : memref<1x64xi32, #tpu.memory_space<vmem>> -> memref<64xi32, #tpu.memory_space<vmem>>
    %dma_wait3A_22 = arith.constant 0 : i32
    %dma_wait3A_23 = arith.constant 0 : i32
    %dma_wait3A_24 = tpu.memref_slice %arg3[%dma_wait3A_22, %dma_wait3A_23] : memref<30524x768xf32, #tpu.memory_space<hbm>> -> memref<30524x768xf32, #tpu.memory_space<hbm>>
    tpu.wait_indirect_dma semaphore(%arg7 : memref<!tpu.dma_semaphore, #tpu.memory_space<semaphore_mem>>) src(%dma_wait3A_24 : memref<30524x768xf32, #tpu.memory_space<hbm>>) dst(%dma_wait3A_18 : memref<64x768xf32, #tpu.memory_space<vmem>>)
    %add3A_25 = arith.constant 0 : i32
    %add3A_26 = arith.addi %mul3A_2, %add3A_25 : i32
    %dma_start3A_27 = arith.constant 0 : i32
    %dma_start3A_28 = arith.constant 0 : i32
    %dma_start3A_29 = arith.constant 0 : i32
    %dma_start3A_30 = tpu.memref_slice %arg6[%dma_start3A_27, %dma_start3A_28, %dma_start3A_29] : memref<2x64x768xf32, #tpu.memory_space<vmem>> -> memref<1x64x768xf32, #tpu.memory_space<vmem>>
    %dma_start3A_31 = tpu.memref_squeeze %dma_start3A_30 : memref<1x64x768xf32, #tpu.memory_space<vmem>> -> memref<64x768xf32, #tpu.memory_space<vmem>>
    %dma_start3A_32 = arith.constant 0 : i32
    %dma_start3A_33 = tpu.memref_slice %arg4[%add3A_26, %dma_start3A_32] : memref<8192x768xf32, #tpu.memory_space<hbm>> -> memref<64x768xf32, #tpu.memory_space<hbm>>
    %dma_start3A_34 = arith.constant 0 : i32
    %dma_start3A_35 = tpu.memref_slice %arg4[%add3A_26, %dma_start3A_34] : memref<8192x768xf32, #tpu.memory_space<hbm>> -> memref<64x768xf32, #tpu.memory_space<hbm>>
    %dma_start3A_36 = arith.constant 0 : i32
    %dma_start3A_37 = arith.constant 0 : i32
    %dma_start3A_38 = tpu.memref_slice %arg6[%dma_start3A_27, %dma_start3A_36, %dma_start3A_37] : memref<2x64x768xf32, #tpu.memory_space<vmem>> -> memref<1x64x768xf32, #tpu.memory_space<vmem>>
    %dma_start3A_39 = tpu.memref_squeeze %dma_start3A_38 : memref<1x64x768xf32, #tpu.memory_space<vmem>> -> memref<64x768xf32, #tpu.memory_space<vmem>>
    tpu.enqueue_dma source(%dma_start3A_39 : memref<64x768xf32, #tpu.memory_space<vmem>>) target(%dma_start3A_35 : memref<64x768xf32, #tpu.memory_space<hbm>>) target_semaphore(%arg8 : memref<!tpu.dma_semaphore, #tpu.memory_space<semaphore_mem>>)
    %dma_start3A_40 = arith.constant 1 : i32
    %dma_start3A_41 = arith.constant 1 : i32
    %dma_start3A_42 = arith.constant 0 : i32
    %dma_start3A_43 = arith.constant 0 : i32
    %dma_start3A_44 = tpu.memref_slice %arg6[%dma_start3A_41, %dma_start3A_42, %dma_start3A_43] : memref<2x64x768xf32, #tpu.memory_space<vmem>> -> memref<1x64x768xf32, #tpu.memory_space<vmem>>
    %dma_start3A_45 = tpu.memref_squeeze %dma_start3A_44 : memref<1x64x768xf32, #tpu.memory_space<vmem>> -> memref<64x768xf32, #tpu.memory_space<vmem>>
    %dma_start3A_46 = arith.constant 0 : i32
    %dma_start3A_47 = tpu.memref_slice %arg5[%dma_start3A_40, %dma_start3A_46] : memref<4x64xi32, #tpu.memory_space<vmem>> -> memref<1x64xi32, #tpu.memory_space<vmem>>
    %dma_start3A_48 = tpu.memref_squeeze %dma_start3A_47 : memref<1x64xi32, #tpu.memory_space<vmem>> -> memref<64xi32, #tpu.memory_space<vmem>>
    %dma_start3A_49 = arith.constant 0 : i32
    %dma_start3A_50 = arith.constant 0 : i32
    %dma_start3A_51 = tpu.memref_slice %arg3[%dma_start3A_49, %dma_start3A_50] : memref<30524x768xf32, #tpu.memory_space<hbm>> -> memref<30524x768xf32, #tpu.memory_space<hbm>>
    tpu.enqueue_indirect_dma source(%dma_start3A_51 : memref<30524x768xf32, #tpu.memory_space<hbm>>) target(%dma_start3A_45 : memref<64x768xf32, #tpu.memory_space<vmem>>) offsets(%dma_start3A_48 : memref<64xi32, #tpu.memory_space<vmem>>) semaphore(%arg7 : memref<!tpu.dma_semaphore, #tpu.memory_space<semaphore_mem>>)
    %dma_wait3A_52 = arith.constant 1 : i32
    %dma_wait3A_53 = arith.constant 1 : i32
    %dma_wait3A_54 = arith.constant 0 : i32
    %dma_wait3A_55 = arith.constant 0 : i32
    %dma_wait3A_56 = tpu.memref_slice %arg6[%dma_wait3A_53, %dma_wait3A_54, %dma_wait3A_55] : memref<2x64x768xf32, #tpu.memory_space<vmem>> -> memref<1x64x768xf32, #tpu.memory_space<vmem>>
    %dma_wait3A_57 = tpu.memref_squeeze %dma_wait3A_56 : memref<1x64x768xf32, #tpu.memory_space<vmem>> -> memref<64x768xf32, #tpu.memory_space<vmem>>
    %dma_wait3A_58 = arith.constant 0 : i32
    %dma_wait3A_59 = tpu.memref_slice %arg5[%dma_wait3A_52, %dma_wait3A_58] : memref<4x64xi32, #tpu.memory_space<vmem>> -> memref<1x64xi32, #tpu.memory_space<vmem>>
    %dma_wait3A_60 = tpu.memref_squeeze %dma_wait3A_59 : memref<1x64xi32, #tpu.memory_space<vmem>> -> memref<64xi32, #tpu.memory_space<vmem>>
    %dma_wait3A_61 = arith.constant 0 : i32
    %dma_wait3A_62 = arith.constant 0 : i32
    %dma_wait3A_63 = tpu.memref_slice %arg3[%dma_wait3A_61, %dma_wait3A_62] : memref<30524x768xf32, #tpu.memory_space<hbm>> -> memref<30524x768xf32, #tpu.memory_space<hbm>>
    tpu.wait_indirect_dma semaphore(%arg7 : memref<!tpu.dma_semaphore, #tpu.memory_space<semaphore_mem>>) src(%dma_wait3A_63 : memref<30524x768xf32, #tpu.memory_space<hbm>>) dst(%dma_wait3A_57 : memref<64x768xf32, #tpu.memory_space<vmem>>)
    %dma_wait3A_64 = arith.constant 0 : i32
    %dma_wait3A_65 = arith.constant 0 : i32
    %dma_wait3A_66 = arith.constant 0 : i32
    %dma_wait3A_67 = tpu.memref_slice %arg6[%dma_wait3A_64, %dma_wait3A_65, %dma_wait3A_66] : memref<2x64x768xf32, #tpu.memory_space<vmem>> -> memref<1x64x768xf32, #tpu.memory_space<vmem>>
    %dma_wait3A_68 = tpu.memref_squeeze %dma_wait3A_67 : memref<1x64x768xf32, #tpu.memory_space<vmem>> -> memref<64x768xf32, #tpu.memory_space<vmem>>
    %dma_wait3A_69 = arith.constant 0 : i32
    %dma_wait3A_70 = tpu.memref_slice %arg4[%add3A_26, %dma_wait3A_69] : memref<8192x768xf32, #tpu.memory_space<hbm>> -> memref<64x768xf32, #tpu.memory_space<hbm>>
    %dma_wait3A_71 = arith.constant 0 : i32
    %dma_wait3A_72 = tpu.memref_slice %arg4[%add3A_26, %dma_wait3A_71] : memref<8192x768xf32, #tpu.memory_space<hbm>> -> memref<64x768xf32, #tpu.memory_space<hbm>>
    %dma_wait3A_73 = arith.constant 0 : i32
    %dma_wait3A_74 = arith.constant 0 : i32
    %dma_wait3A_75 = tpu.memref_slice %arg6[%dma_wait3A_64, %dma_wait3A_73, %dma_wait3A_74] : memref<2x64x768xf32, #tpu.memory_space<vmem>> -> memref<1x64x768xf32, #tpu.memory_space<vmem>>
    %dma_wait3A_76 = tpu.memref_squeeze %dma_wait3A_75 : memref<1x64x768xf32, #tpu.memory_space<vmem>> -> memref<64x768xf32, #tpu.memory_space<vmem>>
    tpu.wait_dma2 semaphore(%arg8 : memref<!tpu.dma_semaphore, #tpu.memory_space<semaphore_mem>>) src(%dma_wait3A_76 : memref<64x768xf32, #tpu.memory_space<vmem>>) dst(%dma_wait3A_72 : memref<64x768xf32, #tpu.memory_space<hbm>>)
    %add3A_77 = arith.constant 64 : i32
    %add3A_78 = arith.addi %mul3A_2, %add3A_77 : i32
    %dma_start3A_79 = arith.constant 1 : i32
    %dma_start3A_80 = arith.constant 0 : i32
    %dma_start3A_81 = arith.constant 0 : i32
    %dma_start3A_82 = tpu.memref_slice %arg6[%dma_start3A_79, %dma_start3A_80, %dma_start3A_81] : memref<2x64x768xf32, #tpu.memory_space<vmem>> -> memref<1x64x768xf32, #tpu.memory_space<vmem>>
    %dma_start3A_83 = tpu.memref_squeeze %dma_start3A_82 : memref<1x64x768xf32, #tpu.memory_space<vmem>> -> memref<64x768xf32, #tpu.memory_space<vmem>>
    %dma_start3A_84 = arith.constant 0 : i32
    %dma_start3A_85 = tpu.memref_slice %arg4[%add3A_78, %dma_start3A_84] : memref<8192x768xf32, #tpu.memory_space<hbm>> -> memref<64x768xf32, #tpu.memory_space<hbm>>
    %dma_start3A_86 = arith.constant 0 : i32
    %dma_start3A_87 = tpu.memref_slice %arg4[%add3A_78, %dma_start3A_86] : memref<8192x768xf32, #tpu.memory_space<hbm>> -> memref<64x768xf32, #tpu.memory_space<hbm>>
    %dma_start3A_88 = arith.constant 0 : i32
    %dma_start3A_89 = arith.constant 0 : i32
    %dma_start3A_90 = tpu.memref_slice %arg6[%dma_start3A_79, %dma_start3A_88, %dma_start3A_89] : memref<2x64x768xf32, #tpu.memory_space<vmem>> -> memref<1x64x768xf32, #tpu.memory_space<vmem>>
    %dma_start3A_91 = tpu.memref_squeeze %dma_start3A_90 : memref<1x64x768xf32, #tpu.memory_space<vmem>> -> memref<64x768xf32, #tpu.memory_space<vmem>>
    tpu.enqueue_dma source(%dma_start3A_91 : memref<64x768xf32, #tpu.memory_space<vmem>>) target(%dma_start3A_87 : memref<64x768xf32, #tpu.memory_space<hbm>>) target_semaphore(%arg8 : memref<!tpu.dma_semaphore, #tpu.memory_space<semaphore_mem>>)
    %dma_start3A_92 = arith.constant 2 : i32
    %dma_start3A_93 = arith.constant 0 : i32
    %dma_start3A_94 = arith.constant 0 : i32
    %dma_start3A_95 = arith.constant 0 : i32
    %dma_start3A_96 = tpu.memref_slice %arg6[%dma_start3A_93, %dma_start3A_94, %dma_start3A_95] : memref<2x64x768xf32, #tpu.memory_space<vmem>> -> memref<1x64x768xf32, #tpu.memory_space<vmem>>
    %dma_start3A_97 = tpu.memref_squeeze %dma_start3A_96 : memref<1x64x768xf32, #tpu.memory_space<vmem>> -> memref<64x768xf32, #tpu.memory_space<vmem>>
    %dma_start3A_98 = arith.constant 0 : i32
    %dma_start3A_99 = tpu.memref_slice %arg5[%dma_start3A_92, %dma_start3A_98] : memref<4x64xi32, #tpu.memory_space<vmem>> -> memref<1x64xi32, #tpu.memory_space<vmem>>
    %dma_start3A_100 = tpu.memref_squeeze %dma_start3A_99 : memref<1x64xi32, #tpu.memory_space<vmem>> -> memref<64xi32, #tpu.memory_space<vmem>>
    %dma_start3A_101 = arith.constant 0 : i32
    %dma_start3A_102 = arith.constant 0 : i32
    %dma_start3A_103 = tpu.memref_slice %arg3[%dma_start3A_101, %dma_start3A_102] : memref<30524x768xf32, #tpu.memory_space<hbm>> -> memref<30524x768xf32, #tpu.memory_space<hbm>>
    tpu.enqueue_indirect_dma source(%dma_start3A_103 : memref<30524x768xf32, #tpu.memory_space<hbm>>) target(%dma_start3A_97 : memref<64x768xf32, #tpu.memory_space<vmem>>) offsets(%dma_start3A_100 : memref<64xi32, #tpu.memory_space<vmem>>) semaphore(%arg7 : memref<!tpu.dma_semaphore, #tpu.memory_space<semaphore_mem>>)
    %dma_wait3A_104 = arith.constant 2 : i32
    %dma_wait3A_105 = arith.constant 0 : i32
    %dma_wait3A_106 = arith.constant 0 : i32
    %dma_wait3A_107 = arith.constant 0 : i32
    %dma_wait3A_108 = tpu.memref_slice %arg6[%dma_wait3A_105, %dma_wait3A_106, %dma_wait3A_107] : memref<2x64x768xf32, #tpu.memory_space<vmem>> -> memref<1x64x768xf32, #tpu.memory_space<vmem>>
    %dma_wait3A_109 = tpu.memref_squeeze %dma_wait3A_108 : memref<1x64x768xf32, #tpu.memory_space<vmem>> -> memref<64x768xf32, #tpu.memory_space<vmem>>
    %dma_wait3A_110 = arith.constant 0 : i32
    %dma_wait3A_111 = tpu.memref_slice %arg5[%dma_wait3A_104, %dma_wait3A_110] : memref<4x64xi32, #tpu.memory_space<vmem>> -> memref<1x64xi32, #tpu.memory_space<vmem>>
    %dma_wait3A_112 = tpu.memref_squeeze %dma_wait3A_111 : memref<1x64xi32, #tpu.memory_space<vmem>> -> memref<64xi32, #tpu.memory_space<vmem>>
    %dma_wait3A_113 = arith.constant 0 : i32
    %dma_wait3A_114 = arith.constant 0 : i32
    %dma_wait3A_115 = tpu.memref_slice %arg3[%dma_wait3A_113, %dma_wait3A_114] : memref<30524x768xf32, #tpu.memory_space<hbm>> -> memref<30524x768xf32, #tpu.memory_space<hbm>>
    tpu.wait_indirect_dma semaphore(%arg7 : memref<!tpu.dma_semaphore, #tpu.memory_space<semaphore_mem>>) src(%dma_wait3A_115 : memref<30524x768xf32, #tpu.memory_space<hbm>>) dst(%dma_wait3A_109 : memref<64x768xf32, #tpu.memory_space<vmem>>)
    %dma_wait3A_116 = arith.constant 1 : i32
    %dma_wait3A_117 = arith.constant 0 : i32
    %dma_wait3A_118 = arith.constant 0 : i32
    %dma_wait3A_119 = tpu.memref_slice %arg6[%dma_wait3A_116, %dma_wait3A_117, %dma_wait3A_118] : memref<2x64x768xf32, #tpu.memory_space<vmem>> -> memref<1x64x768xf32, #tpu.memory_space<vmem>>
    %dma_wait3A_120 = tpu.memref_squeeze %dma_wait3A_119 : memref<1x64x768xf32, #tpu.memory_space<vmem>> -> memref<64x768xf32, #tpu.memory_space<vmem>>
    %dma_wait3A_121 = arith.constant 0 : i32
    %dma_wait3A_122 = tpu.memref_slice %arg4[%add3A_78, %dma_wait3A_121] : memref<8192x768xf32, #tpu.memory_space<hbm>> -> memref<64x768xf32, #tpu.memory_space<hbm>>
    %dma_wait3A_123 = arith.constant 0 : i32
    %dma_wait3A_124 = tpu.memref_slice %arg4[%add3A_78, %dma_wait3A_123] : memref<8192x768xf32, #tpu.memory_space<hbm>> -> memref<64x768xf32, #tpu.memory_space<hbm>>
    %dma_wait3A_125 = arith.constant 0 : i32
    %dma_wait3A_126 = arith.constant 0 : i32
    %dma_wait3A_127 = tpu.memref_slice %arg6[%dma_wait3A_116, %dma_wait3A_125, %dma_wait3A_126] : memref<2x64x768xf32, #tpu.memory_space<vmem>> -> memref<1x64x768xf32, #tpu.memory_space<vmem>>
    %dma_wait3A_128 = tpu.memref_squeeze %dma_wait3A_127 : memref<1x64x768xf32, #tpu.memory_space<vmem>> -> memref<64x768xf32, #tpu.memory_space<vmem>>
    tpu.wait_dma2 semaphore(%arg8 : memref<!tpu.dma_semaphore, #tpu.memory_space<semaphore_mem>>) src(%dma_wait3A_128 : memref<64x768xf32, #tpu.memory_space<vmem>>) dst(%dma_wait3A_124 : memref<64x768xf32, #tpu.memory_space<hbm>>)
    %add3A_129 = arith.constant 128 : i32
    %add3A_130 = arith.addi %mul3A_2, %add3A_129 : i32
    %dma_start3A_131 = arith.constant 0 : i32
    %dma_start3A_132 = arith.constant 0 : i32
    %dma_start3A_133 = arith.constant 0 : i32
    %dma_start3A_134 = tpu.memref_slice %arg6[%dma_start3A_131, %dma_start3A_132, %dma_start3A_133] : memref<2x64x768xf32, #tpu.memory_space<vmem>> -> memref<1x64x768xf32, #tpu.memory_space<vmem>>
    %dma_start3A_135 = tpu.memref_squeeze %dma_start3A_134 : memref<1x64x768xf32, #tpu.memory_space<vmem>> -> memref<64x768xf32, #tpu.memory_space<vmem>>
    %dma_start3A_136 = arith.constant 0 : i32
    %dma_start3A_137 = tpu.memref_slice %arg4[%add3A_130, %dma_start3A_136] : memref<8192x768xf32, #tpu.memory_space<hbm>> -> memref<64x768xf32, #tpu.memory_space<hbm>>
    %dma_start3A_138 = arith.constant 0 : i32
    %dma_start3A_139 = tpu.memref_slice %arg4[%add3A_130, %dma_start3A_138] : memref<8192x768xf32, #tpu.memory_space<hbm>> -> memref<64x768xf32, #tpu.memory_space<hbm>>
    %dma_start3A_140 = arith.constant 0 : i32
    %dma_start3A_141 = arith.constant 0 : i32
    %dma_start3A_142 = tpu.memref_slice %arg6[%dma_start3A_131, %dma_start3A_140, %dma_start3A_141] : memref<2x64x768xf32, #tpu.memory_space<vmem>> -> memref<1x64x768xf32, #tpu.memory_space<vmem>>
    %dma_start3A_143 = tpu.memref_squeeze %dma_start3A_142 : memref<1x64x768xf32, #tpu.memory_space<vmem>> -> memref<64x768xf32, #tpu.memory_space<vmem>>
    tpu.enqueue_dma source(%dma_start3A_143 : memref<64x768xf32, #tpu.memory_space<vmem>>) target(%dma_start3A_139 : memref<64x768xf32, #tpu.memory_space<hbm>>) target_semaphore(%arg8 : memref<!tpu.dma_semaphore, #tpu.memory_space<semaphore_mem>>)
    %dma_start3A_144 = arith.constant 3 : i32
    %dma_start3A_145 = arith.constant 1 : i32
    %dma_start3A_146 = arith.constant 0 : i32
    %dma_start3A_147 = arith.constant 0 : i32
    %dma_start3A_148 = tpu.memref_slice %arg6[%dma_start3A_145, %dma_start3A_146, %dma_start3A_147] : memref<2x64x768xf32, #tpu.memory_space<vmem>> -> memref<1x64x768xf32, #tpu.memory_space<vmem>>
    %dma_start3A_149 = tpu.memref_squeeze %dma_start3A_148 : memref<1x64x768xf32, #tpu.memory_space<vmem>> -> memref<64x768xf32, #tpu.memory_space<vmem>>
    %dma_start3A_150 = arith.constant 0 : i32
    %dma_start3A_151 = tpu.memref_slice %arg5[%dma_start3A_144, %dma_start3A_150] : memref<4x64xi32, #tpu.memory_space<vmem>> -> memref<1x64xi32, #tpu.memory_space<vmem>>
    %dma_start3A_152 = tpu.memref_squeeze %dma_start3A_151 : memref<1x64xi32, #tpu.memory_space<vmem>> -> memref<64xi32, #tpu.memory_space<vmem>>
    %dma_start3A_153 = arith.constant 0 : i32
    %dma_start3A_154 = arith.constant 0 : i32
    %dma_start3A_155 = tpu.memref_slice %arg3[%dma_start3A_153, %dma_start3A_154] : memref<30524x768xf32, #tpu.memory_space<hbm>> -> memref<30524x768xf32, #tpu.memory_space<hbm>>
    tpu.enqueue_indirect_dma source(%dma_start3A_155 : memref<30524x768xf32, #tpu.memory_space<hbm>>) target(%dma_start3A_149 : memref<64x768xf32, #tpu.memory_space<vmem>>) offsets(%dma_start3A_152 : memref<64xi32, #tpu.memory_space<vmem>>) semaphore(%arg7 : memref<!tpu.dma_semaphore, #tpu.memory_space<semaphore_mem>>)
    %dma_wait3A_156 = arith.constant 3 : i32
    %dma_wait3A_157 = arith.constant 1 : i32
    %dma_wait3A_158 = arith.constant 0 : i32
    %dma_wait3A_159 = arith.constant 0 : i32
    %dma_wait3A_160 = tpu.memref_slice %arg6[%dma_wait3A_157, %dma_wait3A_158, %dma_wait3A_159] : memref<2x64x768xf32, #tpu.memory_space<vmem>> -> memref<1x64x768xf32, #tpu.memory_space<vmem>>
    %dma_wait3A_161 = tpu.memref_squeeze %dma_wait3A_160 : memref<1x64x768xf32, #tpu.memory_space<vmem>> -> memref<64x768xf32, #tpu.memory_space<vmem>>
    %dma_wait3A_162 = arith.constant 0 : i32
    %dma_wait3A_163 = tpu.memref_slice %arg5[%dma_wait3A_156, %dma_wait3A_162] : memref<4x64xi32, #tpu.memory_space<vmem>> -> memref<1x64xi32, #tpu.memory_space<vmem>>
    %dma_wait3A_164 = tpu.memref_squeeze %dma_wait3A_163 : memref<1x64xi32, #tpu.memory_space<vmem>> -> memref<64xi32, #tpu.memory_space<vmem>>
    %dma_wait3A_165 = arith.constant 0 : i32
    %dma_wait3A_166 = arith.constant 0 : i32
    %dma_wait3A_167 = tpu.memref_slice %arg3[%dma_wait3A_165, %dma_wait3A_166] : memref<30524x768xf32, #tpu.memory_space<hbm>> -> memref<30524x768xf32, #tpu.memory_space<hbm>>
    tpu.wait_indirect_dma semaphore(%arg7 : memref<!tpu.dma_semaphore, #tpu.memory_space<semaphore_mem>>) src(%dma_wait3A_167 : memref<30524x768xf32, #tpu.memory_space<hbm>>) dst(%dma_wait3A_161 : memref<64x768xf32, #tpu.memory_space<vmem>>)
    %dma_wait3A_168 = arith.constant 0 : i32
    %dma_wait3A_169 = arith.constant 0 : i32
    %dma_wait3A_170 = arith.constant 0 : i32
    %dma_wait3A_171 = tpu.memref_slice %arg6[%dma_wait3A_168, %dma_wait3A_169, %dma_wait3A_170] : memref<2x64x768xf32, #tpu.memory_space<vmem>> -> memref<1x64x768xf32, #tpu.memory_space<vmem>>
    %dma_wait3A_172 = tpu.memref_squeeze %dma_wait3A_171 : memref<1x64x768xf32, #tpu.memory_space<vmem>> -> memref<64x768xf32, #tpu.memory_space<vmem>>
    %dma_wait3A_173 = arith.constant 0 : i32
    %dma_wait3A_174 = tpu.memref_slice %arg4[%add3A_130, %dma_wait3A_173] : memref<8192x768xf32, #tpu.memory_space<hbm>> -> memref<64x768xf32, #tpu.memory_space<hbm>>
    %dma_wait3A_175 = arith.constant 0 : i32
    %dma_wait3A_176 = tpu.memref_slice %arg4[%add3A_130, %dma_wait3A_175] : memref<8192x768xf32, #tpu.memory_space<hbm>> -> memref<64x768xf32, #tpu.memory_space<hbm>>
    %dma_wait3A_177 = arith.constant 0 : i32
    %dma_wait3A_178 = arith.constant 0 : i32
    %dma_wait3A_179 = tpu.memref_slice %arg6[%dma_wait3A_168, %dma_wait3A_177, %dma_wait3A_178] : memref<2x64x768xf32, #tpu.memory_space<vmem>> -> memref<1x64x768xf32, #tpu.memory_space<vmem>>
    %dma_wait3A_180 = tpu.memref_squeeze %dma_wait3A_179 : memref<1x64x768xf32, #tpu.memory_space<vmem>> -> memref<64x768xf32, #tpu.memory_space<vmem>>
    tpu.wait_dma2 semaphore(%arg8 : memref<!tpu.dma_semaphore, #tpu.memory_space<semaphore_mem>>) src(%dma_wait3A_180 : memref<64x768xf32, #tpu.memory_space<vmem>>) dst(%dma_wait3A_176 : memref<64x768xf32, #tpu.memory_space<hbm>>)
    %add3A_181 = arith.constant 192 : i32
    %add3A_182 = arith.addi %mul3A_2, %add3A_181 : i32
    %dma_start3A_183 = arith.constant 1 : i32
    %dma_start3A_184 = arith.constant 0 : i32
    %dma_start3A_185 = arith.constant 0 : i32
    %dma_start3A_186 = tpu.memref_slice %arg6[%dma_start3A_183, %dma_start3A_184, %dma_start3A_185] : memref<2x64x768xf32, #tpu.memory_space<vmem>> -> memref<1x64x768xf32, #tpu.memory_space<vmem>>
    %dma_start3A_187 = tpu.memref_squeeze %dma_start3A_186 : memref<1x64x768xf32, #tpu.memory_space<vmem>> -> memref<64x768xf32, #tpu.memory_space<vmem>>
    %dma_start3A_188 = arith.constant 0 : i32
    %dma_start3A_189 = tpu.memref_slice %arg4[%add3A_182, %dma_start3A_188] : memref<8192x768xf32, #tpu.memory_space<hbm>> -> memref<64x768xf32, #tpu.memory_space<hbm>>
    %dma_start3A_190 = arith.constant 0 : i32
    %dma_start3A_191 = tpu.memref_slice %arg4[%add3A_182, %dma_start3A_190] : memref<8192x768xf32, #tpu.memory_space<hbm>> -> memref<64x768xf32, #tpu.memory_space<hbm>>
    %dma_start3A_192 = arith.constant 0 : i32
    %dma_start3A_193 = arith.constant 0 : i32
    %dma_start3A_194 = tpu.memref_slice %arg6[%dma_start3A_183, %dma_start3A_192, %dma_start3A_193] : memref<2x64x768xf32, #tpu.memory_space<vmem>> -> memref<1x64x768xf32, #tpu.memory_space<vmem>>
    %dma_start3A_195 = tpu.memref_squeeze %dma_start3A_194 : memref<1x64x768xf32, #tpu.memory_space<vmem>> -> memref<64x768xf32, #tpu.memory_space<vmem>>
    tpu.enqueue_dma source(%dma_start3A_195 : memref<64x768xf32, #tpu.memory_space<vmem>>) target(%dma_start3A_191 : memref<64x768xf32, #tpu.memory_space<hbm>>) target_semaphore(%arg8 : memref<!tpu.dma_semaphore, #tpu.memory_space<semaphore_mem>>)
    %dma_wait3A_196 = arith.constant 1 : i32
    %dma_wait3A_197 = arith.constant 0 : i32
    %dma_wait3A_198 = arith.constant 0 : i32
    %dma_wait3A_199 = tpu.memref_slice %arg6[%dma_wait3A_196, %dma_wait3A_197, %dma_wait3A_198] : memref<2x64x768xf32, #tpu.memory_space<vmem>> -> memref<1x64x768xf32, #tpu.memory_space<vmem>>
    %dma_wait3A_200 = tpu.memref_squeeze %dma_wait3A_199 : memref<1x64x768xf32, #tpu.memory_space<vmem>> -> memref<64x768xf32, #tpu.memory_space<vmem>>
    %dma_wait3A_201 = arith.constant 0 : i32
    %dma_wait3A_202 = tpu.memref_slice %arg4[%add3A_182, %dma_wait3A_201] : memref<8192x768xf32, #tpu.memory_space<hbm>> -> memref<64x768xf32, #tpu.memory_space<hbm>>
    %dma_wait3A_203 = arith.constant 0 : i32
    %dma_wait3A_204 = tpu.memref_slice %arg4[%add3A_182, %dma_wait3A_203] : memref<8192x768xf32, #tpu.memory_space<hbm>> -> memref<64x768xf32, #tpu.memory_space<hbm>>
    %dma_wait3A_205 = arith.constant 0 : i32
    %dma_wait3A_206 = arith.constant 0 : i32
    %dma_wait3A_207 = tpu.memref_slice %arg6[%dma_wait3A_196, %dma_wait3A_205, %dma_wait3A_206] : memref<2x64x768xf32, #tpu.memory_space<vmem>> -> memref<1x64x768xf32, #tpu.memory_space<vmem>>
    %dma_wait3A_208 = tpu.memref_squeeze %dma_wait3A_207 : memref<1x64x768xf32, #tpu.memory_space<vmem>> -> memref<64x768xf32, #tpu.memory_space<vmem>>
    tpu.wait_dma2 semaphore(%arg8 : memref<!tpu.dma_semaphore, #tpu.memory_space<semaphore_mem>>) src(%dma_wait3A_208 : memref<64x768xf32, #tpu.memory_space<vmem>>) dst(%dma_wait3A_204 : memref<64x768xf32, #tpu.memory_space<hbm>>)
    return
  }
}

module attributes {stable_mosaic.version = 14 : i64} {
  func.func @_ln_body(%arg0: i32, %arg1: memref<256x768xf32, #tpu.memory_space<vmem>>, %arg2: memref<256x768xf32, #tpu.memory_space<vmem>>, %arg3: memref<1x768xf32, #tpu.memory_space<vmem>>, %arg4: memref<1x768xf32, #tpu.memory_space<vmem>>, %arg5: memref<256x768xf32, #tpu.memory_space<vmem>>) attributes {dimension_semantics = [#tpu.dimension_semantics<arbitrary>], iteration_bounds = array<i64: 32>, scalar_prefetch = 0 : i64, scratch_operands = 0 : i64, tpu.core_type = #tpu.core_type<tc>, window_params = [{transform_indices = @transform_0, window_bounds = array<i64: 256, 768>}, {transform_indices = @transform_1, window_bounds = array<i64: 256, 768>}, {pipeline_mode = #tpu.pipeline_mode<synchronous>, transform_indices = @transform_2, window_bounds = array<i64: 1, 768>}, {pipeline_mode = #tpu.pipeline_mode<synchronous>, transform_indices = @transform_3, window_bounds = array<i64: 1, 768>}, {transform_indices = @transform_4, window_bounds = array<i64: 256, 768>}]} {
    %get3A = arith.constant 0 : index
    %get3A_0 = arith.constant 0 : index
    %get3A_1 = vector.load %arg1[%get3A, %get3A_0] : memref<256x768xf32, #tpu.memory_space<vmem>>, vector<256x768xf32>
    %get3A_2 = arith.constant 0 : index
    %get3A_3 = arith.constant 0 : index
    %get3A_4 = vector.load %arg2[%get3A_2, %get3A_3] : memref<256x768xf32, #tpu.memory_space<vmem>>, vector<256x768xf32>
    %add3A = arith.addf %get3A_1, %get3A_4 : vector<256x768xf32>
    %broadcast_in_dim3A = arith.constant 1.000000e+00 : f32
    %broadcast_in_dim3A_5 = vector.broadcast %broadcast_in_dim3A : f32 to vector<768x128xf32>
    %dot_general3A = arith.constant dense<0.000000e+00> : vector<256x128xf32>
    %dot_general3A_6 = tpu.matmul %add3A, %broadcast_in_dim3A_5, %dot_general3A {dimension_numbers = #tpu.dot_dimension_numbers<[1], [0], [0], [1], [0, 0, 1, 1], [], []>, transpose_lhs_hint = false} : vector<256x768xf32>, vector<768x128xf32>, vector<256x128xf32> -> vector<256x128xf32>
    %slice3A = vector.extract_strided_slice %dot_general3A_6 {offsets = [0, 0], sizes = [256, 1], strides = [1, 1]} : vector<256x128xf32> to vector<256x1xf32>
    %mul3A = arith.mulf %add3A, %add3A : vector<256x768xf32>
    %dot_general3A_7 = arith.constant dense<0.000000e+00> : vector<256x128xf32>
    %dot_general3A_8 = tpu.matmul %mul3A, %broadcast_in_dim3A_5, %dot_general3A_7 {dimension_numbers = #tpu.dot_dimension_numbers<[1], [0], [0], [1], [0, 0, 1, 1], [], []>, transpose_lhs_hint = false} : vector<256x768xf32>, vector<768x128xf32>, vector<256x128xf32> -> vector<256x128xf32>
    %slice3A_9 = vector.extract_strided_slice %dot_general3A_8 {offsets = [0, 0], sizes = [256, 1], strides = [1, 1]} : vector<256x128xf32> to vector<256x1xf32>
    %mul3A_10 = arith.constant 0.00130208337 : f32
    %mul3A_11 = vector.broadcast %mul3A_10 : f32 to vector<256x1xf32>
    %mul3A_12 = arith.mulf %slice3A, %mul3A_11 : vector<256x1xf32>
    %mul3A_13 = arith.constant 0.00130208337 : f32
    %mul3A_14 = vector.broadcast %mul3A_13 : f32 to vector<256x1xf32>
    %mul3A_15 = arith.mulf %slice3A_9, %mul3A_14 : vector<256x1xf32>
    %mul3A_16 = arith.mulf %mul3A_12, %mul3A_12 : vector<256x1xf32>
    %sub3A = arith.subf %mul3A_15, %mul3A_16 : vector<256x1xf32>
    %add3A_17 = arith.constant 9.99999996E-13 : f32
    %add3A_18 = vector.broadcast %add3A_17 : f32 to vector<256x1xf32>
    %add3A_19 = arith.addf %sub3A, %add3A_18 : vector<256x1xf32>
    %rsqrt3A = math.rsqrt %add3A_19 : vector<256x1xf32>
    %sub3A_20 = vector.broadcast %mul3A_12 : vector<256x1xf32> to vector<256x768xf32>
    %sub3A_21 = arith.subf %add3A, %sub3A_20 : vector<256x768xf32>
    %mul3A_22 = vector.broadcast %rsqrt3A : vector<256x1xf32> to vector<256x768xf32>
    %mul3A_23 = arith.mulf %sub3A_21, %mul3A_22 : vector<256x768xf32>
    %get3A_24 = arith.constant 0 : index
    %get3A_25 = arith.constant 0 : index
    %get3A_26 = vector.load %arg3[%get3A_24, %get3A_25] : memref<1x768xf32, #tpu.memory_space<vmem>>, vector<1x768xf32>
    %mul3A_27 = vector.broadcast %get3A_26 : vector<1x768xf32> to vector<256x768xf32>
    %mul3A_28 = arith.mulf %mul3A_23, %mul3A_27 : vector<256x768xf32>
    %get3A_29 = arith.constant 0 : index
    %get3A_30 = arith.constant 0 : index
    %get3A_31 = vector.load %arg4[%get3A_29, %get3A_30] : memref<1x768xf32, #tpu.memory_space<vmem>>, vector<1x768xf32>
    %add3A_32 = vector.broadcast %get3A_31 : vector<1x768xf32> to vector<256x768xf32>
    %add3A_33 = arith.addf %mul3A_28, %add3A_32 : vector<256x768xf32>
    %swap3A = arith.constant 0 : index
    %swap3A_34 = arith.constant 0 : index
    %swap3A_35 = vector.load %arg5[%swap3A, %swap3A_34] : memref<256x768xf32, #tpu.memory_space<vmem>>, vector<256x768xf32>
    tpu.vector_store %arg5[%swap3A, %swap3A_34], %add3A_33 {strides = array<i32>} : memref<256x768xf32, #tpu.memory_space<vmem>>, vector<256x768xf32>,
    return
  }
  func.func @transform_0(%arg0: i32) -> (i32, i32) {
    %c0_i32 = arith.constant 0 : i32
    %c0_i32_0 = arith.constant 0 : i32
    return %arg0, %c0_i32 : i32, i32
  }
  func.func @transform_1(%arg0: i32) -> (i32, i32) {
    %jit3A = arith.constant 8 : i32
    %eq3A = arith.constant 0 : i32
    %eq3A_0 = arith.cmpi eq, %jit3A, %eq3A : i32
    %jit3A_1 = arith.constant 1 : i32
    %select_n3A = arith.select %eq3A_0, %jit3A_1, %jit3A : i32
    %rem3A = arith.remsi %arg0, %select_n3A : i32
    %ne3A = arith.constant 0 : i32
    %ne3A_2 = arith.cmpi ne, %rem3A, %ne3A : i32
    %lt3A = arith.constant 0 : i32
    %lt3A_3 = arith.cmpi slt, %rem3A, %lt3A : i32
    %lt3A_4 = arith.constant 0 : i32
    %lt3A_5 = arith.cmpi slt, %select_n3A, %lt3A_4 : i32
    %ne3A_6 = arith.xori %lt3A_3, %lt3A_5 : i1
    %and3A = arith.andi %ne3A_6, %ne3A_2 : i1
    %add3A = arith.addi %rem3A, %select_n3A : i32
    %select_n3A_7 = arith.select %and3A, %add3A, %rem3A : i32
    %c0_i32 = arith.constant 0 : i32
    %c0_i32_8 = arith.constant 0 : i32
    return %select_n3A_7, %c0_i32 : i32, i32
  }
  func.func @transform_2(%arg0: i32) -> (i32, i32) {
    %c0_i32 = arith.constant 0 : i32
    %c0_i32_0 = arith.constant 0 : i32
    %c0_i32_1 = arith.constant 0 : i32
    return %c0_i32, %c0_i32_0 : i32, i32
  }
  func.func @transform_3(%arg0: i32) -> (i32, i32) {
    %c0_i32 = arith.constant 0 : i32
    %c0_i32_0 = arith.constant 0 : i32
    %c0_i32_1 = arith.constant 0 : i32
    return %c0_i32, %c0_i32_0 : i32, i32
  }
  func.func @transform_4(%arg0: i32) -> (i32, i32) {
    %c0_i32 = arith.constant 0 : i32
    %c0_i32_0 = arith.constant 0 : i32
    return %arg0, %c0_i32 : i32, i32
  }
}

</mosaic_0001>

<sc_bundles>
// kernel: kernel.4.cloned.1.call-start
scs
__scs_entry_jumppad:
0x0: {  	(pc) =	sbr.rel $0x88, $3  }
0x1: {  	(tag) =	ssettag $0x0;
	lr =	simm.s32 $0x1  }
0x2: {  	[smem:$0x3F9C] =	sst lr;
	_ =	strace $0xD0000000  }
0x3: {  	_ = 	snop  }
0x4: {  	_ = 	snop  }
0x5: {  	_ = 	snop  }
0x6: {  	_ = 	snop  }
0x7: {  	_ = 	snop  }
__scs_overlays_trampoline_lowered:
0x8: {  	[smem:$0x3FAB] =	sst s0  }
0x9: {  	[smem:$0x3FAC] =	sst s1  }
0xa: {  	[smem:$0x3FAD] =	sst s2  }
0xb: {  	[smem:$0x3FAE] =	sst s3  }
0xc: {  	[smem:$0x3FAF] =	sst s4  }
0xd: {  	[smem:$0x3FB0] =	sst s5  }
0xe: {  	[smem:$0x3FB1] =	sst s6  }
0xf: {  	[smem:$0x3FB2] =	sst s7  }
0x10: {  	[smem:$0x3FB3] =	sst s8  }
0x11: {  	[smem:$0x3FB4] =	sst s9;
	s0 =	simm.s32 @!p0 $0x0  }
0x12: {  	s1 =	sld [smem:$0x3F9A];
	s0 =	simm.s32 @p0 $0x1  }
0x13: {  	[smem:$0x3FB5] =	sst s0;
	s0 =	simm.s32 @!p1 $0x0  }
0x14: {  	s2 =	sld [smem:$0x3F99];
	s0 =	simm.s32 @p1 $0x1  }
0x15: {  	[smem:$0x3FB6] =	sst s0;
	s0 =	simm.s32 @!p2 $0x0  }
0x16: {  	s3 =	sld [smem:$0x3FDB];
	s0 =	simm.s32 @p2 $0x1  }
0x17: {  	s4 =	simm.s32 $0x1BF5;
	[smem:$0x3FB8] =	sst s0  }
0x18: {  	s0 =	sld [smem:$0x3F9B];
	_ =	swait.ge [sflag:s4], $0x0  }
0x19: {  	s7 =	sld [smem:$0x3F9C]  }
0x1a: {  	s8 =	sadd.s32 $0xFFFFE003, lr  }
0x1b: {  	s9 =	sadd.s32 $0xFFFFFEF7, lr;
	s5 =	simm.s32 $0xFFFFFFFF;
	p2 =	slt.u32 s8, $0xFFFFF086  }
0x1c: {  	p1 =	slt.u32 s9, $0xF7A;
	s5 =	simm.s32 @!p2 $0x0  }
0x1d: {  	s5 =	simm.s32 @p1 $0x1;
	p0 =	seq.s32 s7, s2  }
0x1e: {  	s7 =	smul.u32 @!p0 $0xF7A, s2;
	p2 =	seq.s32 @!p0 s5, $0x0  }
0x1f: {  	s9 =	smul.u32 $0xF7A, s1;
	s8 =	simm.s32 @!p0 $0x1BF5;
	p2 =	por !p2, p0  }
0x20: {  	[sflag:s8] =	ssyncset.s32 @!p0 $0xFFFFF086;
	s6 =	sadd.s32 @!p0 s3, s7;
	s7 =	simm.s32 @!p0 $0x108  }
0x21: {  	s3 =	sadd.s32 s3, s9;
	s6 =	sadd.s32 @!p0 $0x88, s6;
	s7 =	simm.s32 @p2 $0x1082  }
0x22: {  	[simem:s7], [sflag:s8] =	dma.local @!p0 [hbm:s6], $0xF7A  }
0x23: {  	s9 =	sor.u32 $0xD0000000, s2;
	s6 =	simm.s32 $0x108;
	_ =	swait.ge @!p0 [sflag:s8], $0x0  }
0x24: {  	s3 =	sadd.s32 $0x88, s3;
	s6 =	simm.s32 @!p1 $0x1082;
	[sflag:s4] =	ssyncset.s32 $0xFFFFF086  }
0x25: {  	[simem:s6], [sflag:s4] =	dma.local [hbm:s3], $0xF7A  }
0x26: {  	[smem:$0x3F9C] =	sst s1;
	(tag) =	ssettag s2;
	_ =	strace s9  }
0x27: {  	s1 =	sld [smem:$0x3FAC]  }
0x28: {  	s2 =	sld [smem:$0x3FAD]  }
0x29: {  	s4 =	sld [smem:$0x3FAF]  }
0x2a: {  	p0 =	seq.s32 s5, $0x0;
	s5 =	sld [smem:$0x3FB0]  }
0x2b: {  	s6 =	sld [smem:$0x3FB1]  }
0x2c: {  	s7 =	sld [smem:$0x3FB2]  }
0x2d: {  	s3 =	simm.s32 $0x108;
	s8 =	sld [smem:$0x3FB3]  }
0x2e: {  	s3 =	simm.s32 @!p0 $0x1082;
	s9 =	sld [smem:$0x3FB4]  }
0x2f: {  	lr =	sadd.s32 s0, s3;
	s0 =	sld [smem:$0x3FAB]  }
0x30: {  	s3 =	sld [smem:$0x3FAE]  }
0x31: {  	[smem:$0x3FB7] =	sst s10  }
0x32: {  	s10 =	sld [smem:$0x3FB5];
	_ =	sdelay $0x3  }
0x33: {  	p0 =	seq.s32 s10, $0x1;
	s10 =	sld [smem:$0x3FB7];
	_ =	sdelay $0x3  }
0x34: {  	[smem:$0x3FB7] =	sst s10  }
0x35: {  	s10 =	sld [smem:$0x3FB6];
	_ =	sdelay $0x3  }
0x36: {  	p1 =	seq.s32 s10, $0x1;
	s10 =	sld [smem:$0x3FB7];
	_ =	sdelay $0x3  }
0x37: {  	[smem:$0x3FB7] =	sst s10  }
0x38: {  	s10 =	sld [smem:$0x3FB8]  }
0x39: {  	_ = 	snop;
	(pc) =	sbr.ind lr, $3  }
0x3a: {  	_ = 	snop  }
0x3b: {  	_ = 	snop  }
0x3c: {  	p2 =	seq.s32 s10, $0x1;
	s10 =	sld [smem:$0x3FB7]  }
0x3d: {  	_ =	shalt  }
0x3e: {  	_ =	shalt  }
0x3f: {  	_ =	shalt  }
0x40: {  	_ =	shalt  }
0x41: {  	_ =	shalt  }
0x42: {  	_ =	shalt  }
0x43: {  	_ =	shalt  }
0x44: {  	_ =	shalt  }
0x45: {  	_ =	shalt  }
0x46: {  	_ =	shalt  }
0x47: {  	_ =	shalt  }
0x48: {  	_ =	shalt  }
0x49: {  	_ =	shalt  }
0x4a: {  	_ =	shalt  }
0x4b: {  	_ =	shalt  }
0x4c: {  	_ =	shalt  }
0x4d: {  	_ =	shalt  }
0x4e: {  	_ =	shalt  }
0x4f: {  	_ =	shalt  }
0x50: {  	_ =	shalt  }
0x51: {  	_ =	shalt  }
0x52: {  	_ =	shalt  }
0x53: {  	_ =	shalt  }
0x54: {  	_ =	shalt  }
0x55: {  	_ =	shalt  }
0x56: {  	_ =	shalt  }
0x57: {  	_ =	shalt  }
0x58: {  	_ =	shalt  }
0x59: {  	_ =	shalt  }
0x5a: {  	_ =	shalt  }
0x5b: {  	_ =	shalt  }
0x5c: {  	_ =	shalt  }
0x5d: {  	_ =	shalt  }
0x5e: {  	_ =	shalt  }
0x5f: {  	_ =	shalt  }
0x60: {  	_ =	shalt  }
0x61: {  	_ =	shalt  }
0x62: {  	_ =	shalt  }
0x63: {  	_ =	shalt  }
0x64: {  	_ =	shalt  }
0x65: {  	_ =	shalt  }
0x66: {  	_ =	shalt  }
0x67: {  	_ =	shalt  }
0x68: {  	_ =	shalt  }
0x69: {  	_ =	shalt  }
0x6a: {  	_ =	shalt  }
0x6b: {  	_ =	shalt  }
0x6c: {  	_ =	shalt  }
0x6d: {  	_ =	shalt  }
0x6e: {  	_ =	shalt  }
0x6f: {  	_ =	shalt  }
0x70: {  	_ =	shalt  }
0x71: {  	_ =	shalt  }
0x72: {  	_ =	shalt  }
0x73: {  	_ =	shalt  }
0x74: {  	_ =	shalt  }
0x75: {  	_ =	shalt  }
0x76: {  	_ =	shalt  }
0x77: {  	_ =	shalt  }
0x78: {  	_ =	shalt  }
0x79: {  	_ =	shalt  }
0x7a: {  	_ =	shalt  }
0x7b: {  	_ =	shalt  }
0x7c: {  	_ =	shalt  }
0x7d: {  	_ =	shalt  }
0x7e: {  	_ =	shalt  }
0x7f: {  	_ =	shalt  }
0x80: {  	_ =	shalt  }
0x81: {  	_ =	shalt  }
0x82: {  	_ =	shalt  }
0x83: {  	_ =	shalt  }
0x84: {  	_ =	shalt  }
0x85: {  	_ =	shalt  }
0x86: {  	_ =	shalt  }
0x87: {  	_ =	shalt  }
.Lfunc_end0:
.L_simem_size_0:
called_computation_lowered:
.L_overlay_start_0:
0x88: {  	s2 =	sld [smem:$0x3FD9]  }
0x89: {  	s3 =	sld [smem:$0x3FFE];
	_ =	sdelay $0x1  }
0x8a: {  	s1 =	srdreg.scid  }
0x8b: {  	s0 =	sand.u32 $0x1, s1  }
0x8c: {  	s17 =	sshll.u32 s0, $0xA;
	s2 =	sadd.s32 s3, s2  }
0x8d: {  	s2 =	sadd.s32 s2, s17  }
0x8e: {  	[smem:$0x3FC3] =	sst s2  }
0x8f: {  	_ = 	snop  }
0x90: {  	s2 =	sld [smem:$0x3FC8]  }
0x91: {  	s18 =	sld [smem:$0x3FD0];
	(tm) =	ssettm $0x1  }
0x92: {  	s4 =	sld [smem:$0x3FFB];
	_ =	sdelay $0x3  }
0x93: {  	_ =	strace s4  }
0x94: {  	s4 =	sld [smem:$0x3FFC];
	_ =	sdelay $0x3  }
0x95: {  	_ =	strace s4  }
0x96: {  	s4 =	sld [smem:$0x3FFD];
	_ =	sdelay $0x3  }
0x97: {  	_ =	strace s4  }
0x98: {  	_ =	strace $0x8FFFFFFF  }
0x99: {  	s19 =	sld [smem:$0x3FDB];
	_ =	sdelay $0x1  }
0x9a: {  	s5 =	simm.s32 $_scs_section_size  }
0x9b: {  	s6 =	simm.s32 $_size__tile_overlayer_lowered;
	s7 =	simm.s32 $_tile_overlayer_lowered  }
0x9c: {  	s22 =	simm.s32 $0x1BFF;
	s21 =	sshll.u32 s7, $0x1;
	s4 =	sadd.s32 s5, s19  }
0x9d: {  	s8 =	simm.s32 $0x0;
	s20 =	sshll.u32 s6, $0x1;
	s6 =	sadd.s32 s21, s4  }
0x9e: {  	[timem:s8], [sflag:s22] =	dma.local [hbm:s6], s20  }
0x9f: {  	_ =	swait.ge [sflag:s22], s20  }
0xa0: {  	s5 =	ssub.s32 $0x0, s20;
	[sflag:s22] =	ssyncset.done $0x0  }
0xa1: {  	[sflag:s22] =	ssyncadd.s32 s5;
	_ =	sdelay $0x1  }
0xa2: {  	s23 =	simm.s32 $0x1B8B  }
0xa3: {  	_ =	swait.ge [sflag:s23], $0x1  }
0xa4: {  	[sflag:s23] =	ssyncset.done $0x0  }
0xa5: {  	s25 =	simm.s32 $0x1B8E;
	s24 =	sld [smem:$0x3FFE];
	[sflag:s23] =	ssyncadd.s32 $0xFFFFFFFF  }
0xa6: {  	s26 =	simm.s32 $execute0_lowered;
	[smem:$0x3FD2] =	sst s25  }
0xa7: {  	s6 =	sshll.u32 s26, $0x1;
	_ =	strace $0x80000046;
	[dreg:$0x1] =	wrdreg $0xFFFFFFFF  }
0xa8: {  	s28 =	simm.s32 $_size_execute0_lowered;
	s4 =	sadd.s32 s4, s6;
	[dreg:$0x0] =	wrdreg $0x0  }
0xa9: {  	s6 =	sshll.u32 s28, $0x1;
	[dreg:$0x2] =	wrdreg s4  }
0xaa: {  	[dreg:$0x3] =	wrdreg s6  }
0xab: {  	[dreg:$0x4] =	wrdreg $0xC0  }
0xac: {  	_ =	task [dreg:s8], $0x5FFFF  }
0xad: {  	[dreg:$0x1] =	wrdreg $0xFFFFFFFF  }
0xae: {  	[dreg:$0x0] =	wrdreg $0x60  }
0xaf: {  	[dreg:$0x2] =	wrdreg s18  }
0xb0: {  	[dreg:$0x3] =	wrdreg s2  }
0xb1: {  	[dreg:$0x4] =	wrdreg s24  }
0xb2: {  	[dreg:$0x5] =	wrdreg $0x9  }
0xb3: {  	_ =	task.clear_ibuf [dreg:s8], $0x6FFFF;
	_ =	strace $0x90000046  }
0xb4: {  	s29 =	simm.s32 $0x9;
	_ =	strace $0x80000048  }
0xb5: {  	_ =	swait.ge [sflag:s29], $0x1  }
0xb6: {  	[sflag:s29] =	ssyncadd.s32 $0xFFFFFFFF  }
0xb7: {  	_ =	strace $0x90000048  }
0xb8: {  	_ =	sfence  }
0xb9: {  	s30 =	sld [smem:$0x0];
	_ =	sdelay $0x2  }
0xba: {  	s31 =	sshll.u32 s1, $0xD;
	s1 =	sshrl.u32 s1, $0x2  }
0xbb: {  	s3 =	sand.u32 $0x4000, s31;
	s1 =	sadd.s32 s1, s30  }
0xbc: {  	s0 =	sor.u32 s3, s0;
	s1 =	sshll.u32 s1, $0x11  }
0xbd: {  	s0 =	sor.u32 s1, s0  }
0xbe: {  	s0 =	sadd.s32 $0x8F2B, s0  }
0xbf: {  	[sflag:s0] =	ssyncadd.remote.s32 $0x1  }
0xc0: {  	_ =	sfence.sel $0xFFFF  }
0xc1: {  	[dreg:$0x0] =	wrdreg $0xFFFFFFFF;
	(pc) =	sbr.abs _section_cstart, $3  }
0xc2: {  	[dreg:$0x1] =	wrdreg $0xFFFFFFFF  }
0xc3: {  	_ =	task.clear_ibuf [dreg:s8], $0x2FFFF;
	_ =	strace $0x9FFFFFFF  }
0xc4: {  	(tm) =	ssettm $0x7FFFFFFF  }
0xc5: {  	_ =	shalt  }
tec
execute0_lowered:
.L_overlay_start_1:
0x0: {  	(tag) =	ssettag $0x1  }
0x1: {  	s0 =	rddreg [dreg:$0x0]  }
0x2: {  	s2 =	rddreg [dreg:$0x1];
	s1 =	srdreg.scid  }
0x3: {  	s3 =	stileid.u32;
	s4 =	rddreg [dreg:$0x2]  }
0x4: {  	s10 =	simm.s32 $0x1;
	s12 =	simm.s32 $0x2;
	s14 =	simm.s32 $0xA00  }
0x5: {  	s15 =	simm.s32 $0x1200;
	s16 =	simm.s32 $0x1A00;
	s17 =	simm.s32 $0x2200  }
0x6: {  	s18 =	simm.s32 $0x2A00;
	s19 =	simm.s32 $0x3200;
	s20 =	simm.s32 $0x3A00  }
0x7: {  	s21 =	simm.s32 $0x4200;
	s22 =	simm.s32 $0x4A00;
	s28 =	simm.s32 $0x7200  }
0x8: {  	s29 =	simm.s32 $0x7A00;
	s30 =	simm.s32 $0x8200;
	s31 =	simm.s32 $0x8A00  }
0x9: {  	s11 =	simm.s32 $0xA200;
	s1 =	sand.u32 $0x1, s1;
	s5 =	sshll.u32 s3, $0x1  }
0xa: {  	s9 =	simm.s32 $0xB200;
	s3 =	simm.s32 $0x0;
	s5 =	sor.u32 s1, s5  }
0xb: {  	s4 =	sadd.s32 $0xA00, s4;
	[smem:$0x7FF] =	sst s3;
	s6 =	smul.u32 $0x6000, s5  }
0xc: {  	s1 =	ssub.s32 $0x2, s1;
	s7 =	smul.u32 $0x30000, s5;
	s5 =	sshll.u32 s5, $0x6  }
0xd: {  	_ =	strace $0x80000047;
	s8 =	sshrl.u32 s1, $0x1;
	s0 =	sadd.s32 s0, s5  }
0xe: {  	s1 =	ssub.s32 s1, s8;
	s5 =	sadd.s32 $0x100, s2;
	s8 =	simm.s32 $0xAA00  }
0xf: {  	s6 =	sadd.s32 s4, s6;
	s23 =	sshrl.u32 s7, $0x3;
	[dreg:$0x4] =	wrdreg s0  }
0x10: {  	s7 =	smax.u32 s1, $0x1;
	[dreg:$0x8] =	wrdreg s6;
	s24 =	sadd.s32 $0x1800, s6  }
0x11: {  	s4 =	sadd.s32 s4, s23;
	s6 =	sadd.s32 $0x200, s2;
	s23 =	simm.s32 $0x5200  }
0x12: {  	v2 =	vlaneseq.u32;
	[dreg:$0x5] =	wrdreg s24;
	s25 =	sadd.s32 $0x3000, s4;
	s26 =	sadd.s32 $0x4800, s4  }
0x13: {  	vm0 =	vmmov $0xffff;
	v1 =	vshrl.u32 v2, $0x3;
	s4 =	simm.s32 $0x200;
	s24 =	simm.s32 $0x5A00;
	[dreg:$0x6] =	wrdreg s25  }
0x14: {  	v0 =	vand.u32 $0x7, v2;
	v2 =	vor.u32 $0x8, v2;
	v1 =	vmul.u32 $0x8, v1;
	[dreg:$0x7] =	wrdreg s26;
	s25 =	simm.s32 $0x6200;
	s26 =	simm.s32 $0x6A00  }
.LBB2_1:
0x15: {  	s13 =	rddreg [dreg:$0x4];
	s0 =	simm.s32 $0x3  }
0x16: {  	[tilespmem:s3], [sflag:$0x3] =	stream.linear.gather [hbm4b:s13+s3], $0x200, $0x38;
	[tilespmem:$0x18200] =	vst v63  }
0x17: {  	_ =	swait.ge [sflag:s0], $0x200  }
0x18: {  	[sflag:s0] =	ssyncset.done $0x0  }
0x19: {  	[sflag:s0] =	ssyncadd.s32 $0xFFFFFE00  }
0x1a: {  	v3 =	vld [tilespmem:$0x0];
	_ =	sdelay $0x4  }
0x1b: {  	v4 =	vshrl.u32 v3, $0x3  }
0x1c: {  	v4 =	vmul.u32 $0x30, v4  }
0x1d: {  	v3 =	vand.u32 $0x7, v3  }
0x1e: {  	v3 =	vor.u32 v3, v4  }
0x1f: {  	v4 =	vperm.xlane v3, v0;
	_ =	sdelay $0x1  }
0x20: {  	v4 =	vadd.s32 v1, v4;
	_ =	sdelay $0x3  }
0x21: {  	v3 =	vperm.xlane v3, v2  }
0x22: {  	[tilespmem:s4], [sflag:$0x1] =	stream.indirect_vreg.gather [hbm4b:s2+s3], $0x80, v4, vm0, $0xb8;
	[tilespmem:$0x18200] =	vst v63  }
0x23: {  	v3 =	vadd.s32 v1, v3  }
0x24: {  	[tilespmem:s14], [sflag:$0x1] =	stream.indirect_vreg.gather [hbm4b:s5+s3], $0x80, v4, vm0, $0xb8;
	[tilespmem:$0x18200] =	vst v63  }
0x25: {  	_ = 	snop  }
0x26: {  	[tilespmem:s15], [sflag:$0x1] =	stream.indirect_vreg.gather [hbm4b:s6+s3], $0x80, v4, vm0, $0xb8;
	[tilespmem:$0x18200] =	vst v63  }
0x27: {  	_ = 	snop  }
0x28: {  	[tilespmem:s16], [sflag:$0x1] =	stream.indirect_vreg.gather [hbm4b:s2+s3], $0x80, v3, vm0, $0xb8;
	[tilespmem:$0x18200] =	vst v63  }
0x29: {  	_ = 	snop  }
0x2a: {  	[tilespmem:s17], [sflag:$0x1] =	stream.indirect_vreg.gather [hbm4b:s5+s3], $0x80, v3, vm0, $0xb8;
	[tilespmem:$0x18200] =	vst v63  }
0x2b: {  	_ = 	snop  }
0x2c: {  	[tilespmem:s18], [sflag:$0x1] =	stream.indirect_vreg.gather [hbm4b:s6+s3], $0x80, v3, vm0, $0xb8;
	[tilespmem:$0x18200] =	vst v63  }
0x2d: {  	v3 =	vld [tilespmem:$0x10];
	_ =	sdelay $0x4  }
0x2e: {  	v49 =	vshrl.u32 v3, $0x3  }
0x2f: {  	v4 =	vmul.u32 $0x30, v49  }
0x30: {  	v3 =	vand.u32 $0x7, v3  }
0x31: {  	v3 =	vor.u32 v3, v4  }
0x32: {  	v4 =	vperm.xlane v3, v0;
	_ =	sdelay $0x1  }
0x33: {  	v4 =	vadd.s32 v1, v4;
	_ =	sdelay $0x3  }
0x34: {  	v3 =	vperm.xlane v3, v2  }
0x35: {  	[tilespmem:s19], [sflag:$0x1] =	stream.indirect_vreg.gather [hbm4b:s2+s3], $0x80, v4, vm0, $0xb8;
	[tilespmem:$0x18200] =	vst v63  }
0x36: {  	v3 =	vadd.s32 v1, v3  }
0x37: {  	[tilespmem:s20], [sflag:$0x1] =	stream.indirect_vreg.gather [hbm4b:s5+s3], $0x80, v4, vm0, $0xb8;
	[tilespmem:$0x18200] =	vst v63  }
0x38: {  	_ = 	snop  }
0x39: {  	[tilespmem:s21], [sflag:$0x1] =	stream.indirect_vreg.gather [hbm4b:s6+s3], $0x80, v4, vm0, $0xb8;
	[tilespmem:$0x18200] =	vst v63  }
0x3a: {  	_ = 	snop  }
0x3b: {  	[tilespmem:s22], [sflag:$0x1] =	stream.indirect_vreg.gather [hbm4b:s2+s3], $0x80, v3, vm0, $0xb8;
	[tilespmem:$0x18200] =	vst v63  }
0x3c: {  	_ = 	snop  }
0x3d: {  	[tilespmem:s23], [sflag:$0x1] =	stream.indirect_vreg.gather [hbm4b:s5+s3], $0x80, v3, vm0, $0xb8;
	[tilespmem:$0x18200] =	vst v63  }
0x3e: {  	_ = 	snop  }
0x3f: {  	[tilespmem:s24], [sflag:$0x1] =	stream.indirect_vreg.gather [hbm4b:s6+s3], $0x80, v3, vm0, $0xb8;
	[tilespmem:$0x18200] =	vst v63  }
0x40: {  	v3 =	vld [tilespmem:$0x20];
	_ =	sdelay $0x4  }
0x41: {  	v50 =	vshrl.u32 v3, $0x3  }
0x42: {  	v4 =	vmul.u32 $0x30, v50  }
0x43: {  	v3 =	vand.u32 $0x7, v3  }
0x44: {  	v3 =	vor.u32 v3, v4  }
0x45: {  	v4 =	vperm.xlane v3, v0;
	_ =	sdelay $0x1  }
0x46: {  	v4 =	vadd.s32 v1, v4;
	_ =	sdelay $0x3  }
0x47: {  	v3 =	vperm.xlane v3, v2  }
0x48: {  	[tilespmem:s25], [sflag:$0x1] =	stream.indirect_vreg.gather [hbm4b:s2+s3], $0x80, v4, vm0, $0xb8;
	[tilespmem:$0x18200] =	vst v63  }
0x49: {  	v3 =	vadd.s32 v1, v3  }
0x4a: {  	[tilespmem:s26], [sflag:$0x1] =	stream.indirect_vreg.gather [hbm4b:s5+s3], $0x80, v4, vm0, $0xb8;
	[tilespmem:$0x18200] =	vst v63  }
0x4b: {  	_ = 	snop  }
0x4c: {  	[tilespmem:s28], [sflag:$0x1] =	stream.indirect_vreg.gather [hbm4b:s6+s3], $0x80, v4, vm0, $0xb8;
	[tilespmem:$0x18200] =	vst v63  }
0x4d: {  	_ = 	snop  }
0x4e: {  	[tilespmem:s29], [sflag:$0x1] =	stream.indirect_vreg.gather [hbm4b:s2+s3], $0x80, v3, vm0, $0xb8;
	[tilespmem:$0x18200] =	vst v63  }
0x4f: {  	_ = 	snop  }
0x50: {  	[tilespmem:s30], [sflag:$0x1] =	stream.indirect_vreg.gather [hbm4b:s5+s3], $0x80, v3, vm0, $0xb8;
	[tilespmem:$0x18200] =	vst v63  }
0x51: {  	_ = 	snop  }
0x52: {  	[tilespmem:s31], [sflag:$0x1] =	stream.indirect_vreg.gather [hbm4b:s6+s3], $0x80, v3, vm0, $0xb8;
	[tilespmem:$0x18200] =	vst v63  }
0x53: {  	v3 =	vld [tilespmem:$0x30];
	_ =	sdelay $0x4  }
0x54: {  	v51 =	vshrl.u32 v3, $0x3  }
0x55: {  	v4 =	vmul.u32 $0x30, v51  }
0x56: {  	v3 =	vand.u32 $0x7, v3  }
0x57: {  	v3 =	vor.u32 v3, v4  }
0x58: {  	v4 =	vperm.xlane v3, v0;
	_ =	sdelay $0x1  }
0x59: {  	v4 =	vadd.s32 v1, v4;
	_ =	sdelay $0x3  }
0x5a: {  	s1 =	simm.s32 $0x9200;
	v3 =	vperm.xlane v3, v2  }
0x5b: {  	[tilespmem:s1], [sflag:$0x1] =	stream.indirect_vreg.gather [hbm4b:s2+s3], $0x80, v4, vm0, $0xb8;
	[tilespmem:$0x18200] =	vst v63  }
0x5c: {  	s13 =	simm.s32 $0x9A00;
	v3 =	vadd.s32 v1, v3  }
0x5d: {  	[tilespmem:s13], [sflag:$0x1] =	stream.indirect_vreg.gather [hbm4b:s5+s3], $0x80, v4, vm0, $0xb8;
	[tilespmem:$0x18200] =	vst v63  }
0x5e: {  	_ = 	snop  }
0x5f: {  	[tilespmem:s11], [sflag:$0x1] =	stream.indirect_vreg.gather [hbm4b:s6+s3], $0x80, v4, vm0, $0xb8;
	[tilespmem:$0x18200] =	vst v63  }
0x60: {  	_ = 	snop  }
0x61: {  	[tilespmem:s8], [sflag:$0x1] =	stream.indirect_vreg.gather [hbm4b:s2+s3], $0x80, v3, vm0, $0xb8;
	[tilespmem:$0x18200] =	vst v63  }
0x62: {  	_ = 	snop  }
0x63: {  	[tilespmem:s9], [sflag:$0x1] =	stream.indirect_vreg.gather [hbm4b:s5+s3], $0x80, v3, vm0, $0xb8;
	[tilespmem:$0x18200] =	vst v63  }
0x64: {  	s13 =	simm.s32 $0xBA00  }
0x65: {  	[tilespmem:s13], [sflag:$0x1] =	stream.indirect_vreg.gather [hbm4b:s6+s3], $0x80, v3, vm0, $0xb8;
	[tilespmem:$0x18200] =	vst v63  }
0x66: {  	_ =	swait.ge [sflag:s10], $0xC000  }
0x67: {  	[sflag:s10] =	ssyncset.done $0x0  }
0x68: {  	s0 =	rddreg [dreg:$0x8];
	[sflag:s10] =	ssyncadd.s32 $0xFFFF4000  }
0x69: {  	[hbm4b:s0+s3] =	stream.linear.scatter [tilespmem:s4], [sflag:$0x2], $0xC000, $0x38;
	[tilespmem:$0x18200] =	vst v63  }
0x6a: {  	v3 =	vld [tilespmem:$0x80];
	_ =	sdelay $0x4  }
0x6b: {  	v52 =	vshrl.u32 v3, $0x3  }
0x6c: {  	v4 =	vmul.u32 $0x30, v52  }
0x6d: {  	v3 =	vand.u32 $0x7, v3  }
0x6e: {  	v3 =	vor.u32 v3, v4  }
0x6f: {  	v4 =	vperm.xlane v3, v0;
	_ =	sdelay $0x1  }
0x70: {  	v4 =	vadd.s32 v1, v4;
	_ =	sdelay $0x3  }
0x71: {  	s0 =	simm.s32 $0xC200;
	v3 =	vperm.xlane v3, v2  }
0x72: {  	[tilespmem:s0], [sflag:$0x1] =	stream.indirect_vreg.gather [hbm4b:s2+s3], $0x80, v4, vm0, $0xb8;
	[tilespmem:$0x18200] =	vst v63  }
0x73: {  	s13 =	simm.s32 $0xCA00;
	v3 =	vadd.s32 v1, v3  }
0x74: {  	[tilespmem:s13], [sflag:$0x1] =	stream.indirect_vreg.gather [hbm4b:s5+s3], $0x80, v4, vm0, $0xb8;
	[tilespmem:$0x18200] =	vst v63  }
0x75: {  	s13 =	simm.s32 $0xD200  }
0x76: {  	[tilespmem:s13], [sflag:$0x1] =	stream.indirect_vreg.gather [hbm4b:s6+s3], $0x80, v4, vm0, $0xb8;
	[tilespmem:$0x18200] =	vst v63  }
0x77: {  	s13 =	simm.s32 $0xDA00  }
0x78: {  	[tilespmem:s13], [sflag:$0x1] =	stream.indirect_vreg.gather [hbm4b:s2+s3], $0x80, v3, vm0, $0xb8;
	[tilespmem:$0x18200] =	vst v63  }
0x79: {  	s13 =	simm.s32 $0xE200  }
0x7a: {  	[tilespmem:s13], [sflag:$0x1] =	stream.indirect_vreg.gather [hbm4b:s5+s3], $0x80, v3, vm0, $0xb8;
	[tilespmem:$0x18200] =	vst v63  }
0x7b: {  	s13 =	simm.s32 $0xEA00  }
0x7c: {  	[tilespmem:s13], [sflag:$0x1] =	stream.indirect_vreg.gather [hbm4b:s6+s3], $0x80, v3, vm0, $0xb8;
	[tilespmem:$0x18200] =	vst v63  }
0x7d: {  	v3 =	vld [tilespmem:$0x90];
	_ =	sdelay $0x4  }
0x7e: {  	v53 =	vshrl.u32 v3, $0x3  }
0x7f: {  	v4 =	vmul.u32 $0x30, v53  }
0x80: {  	v3 =	vand.u32 $0x7, v3  }
0x81: {  	v3 =	vor.u32 v3, v4  }
0x82: {  	v4 =	vperm.xlane v3, v0;
	_ =	sdelay $0x1  }
0x83: {  	v4 =	vadd.s32 v1, v4;
	_ =	sdelay $0x3  }
0x84: {  	s13 =	simm.s32 $0xF200;
	v3 =	vperm.xlane v3, v2  }
0x85: {  	[tilespmem:s13], [sflag:$0x1] =	stream.indirect_vreg.gather [hbm4b:s2+s3], $0x80, v4, vm0, $0xb8;
	[tilespmem:$0x18200] =	vst v63  }
0x86: {  	v3 =	vadd.s32 v1, v3;
	s13 =	simm.s32 $0xFA00  }
0x87: {  	[tilespmem:s13], [sflag:$0x1] =	stream.indirect_vreg.gather [hbm4b:s5+s3], $0x80, v4, vm0, $0xb8;
	[tilespmem:$0x18200] =	vst v63  }
0x88: {  	s13 =	simm.s32 $0x10200  }
0x89: {  	[tilespmem:s13], [sflag:$0x1] =	stream.indirect_vreg.gather [hbm4b:s6+s3], $0x80, v4, vm0, $0xb8;
	[tilespmem:$0x18200] =	vst v63  }
0x8a: {  	s13 =	simm.s32 $0x10A00  }
0x8b: {  	[tilespmem:s13], [sflag:$0x1] =	stream.indirect_vreg.gather [hbm4b:s2+s3], $0x80, v3, vm0, $0xb8;
	[tilespmem:$0x18200] =	vst v63  }
0x8c: {  	s13 =	simm.s32 $0x11200  }
0x8d: {  	[tilespmem:s13], [sflag:$0x1] =	stream.indirect_vreg.gather [hbm4b:s5+s3], $0x80, v3, vm0, $0xb8;
	[tilespmem:$0x18200] =	vst v63  }
0x8e: {  	s13 =	simm.s32 $0x11A00  }
0x8f: {  	[tilespmem:s13], [sflag:$0x1] =	stream.indirect_vreg.gather [hbm4b:s6+s3], $0x80, v3, vm0, $0xb8;
	[tilespmem:$0x18200] =	vst v63  }
0x90: {  	v3 =	vld [tilespmem:$0xA0];
	_ =	sdelay $0x4  }
0x91: {  	v54 =	vshrl.u32 v3, $0x3  }
0x92: {  	v4 =	vmul.u32 $0x30, v54  }
0x93: {  	v3 =	vand.u32 $0x7, v3  }
0x94: {  	v3 =	vor.u32 v3, v4  }
0x95: {  	v4 =	vperm.xlane v3, v0;
	_ =	sdelay $0x1  }
0x96: {  	v4 =	vadd.s32 v1, v4;
	_ =	sdelay $0x3  }
0x97: {  	s13 =	simm.s32 $0x12200;
	v3 =	vperm.xlane v3, v2  }
0x98: {  	[tilespmem:s13], [sflag:$0x1] =	stream.indirect_vreg.gather [hbm4b:s2+s3], $0x80, v4, vm0, $0xb8;
	[tilespmem:$0x18200] =	vst v63  }
0x99: {  	v3 =	vadd.s32 v1, v3;
	s13 =	simm.s32 $0x12A00  }
0x9a: {  	[tilespmem:s13], [sflag:$0x1] =	stream.indirect_vreg.gather [hbm4b:s5+s3], $0x80, v4, vm0, $0xb8;
	[tilespmem:$0x18200] =	vst v63  }
0x9b: {  	s13 =	simm.s32 $0x13200  }
0x9c: {  	[tilespmem:s13], [sflag:$0x1] =	stream.indirect_vreg.gather [hbm4b:s6+s3], $0x80, v4, vm0, $0xb8;
	[tilespmem:$0x18200] =	vst v63  }
0x9d: {  	s13 =	simm.s32 $0x13A00  }
0x9e: {  	[tilespmem:s13], [sflag:$0x1] =	stream.indirect_vreg.gather [hbm4b:s2+s3], $0x80, v3, vm0, $0xb8;
	[tilespmem:$0x18200] =	vst v63  }
0x9f: {  	s13 =	simm.s32 $0x14200  }
0xa0: {  	[tilespmem:s13], [sflag:$0x1] =	stream.indirect_vreg.gather [hbm4b:s5+s3], $0x80, v3, vm0, $0xb8;
	[tilespmem:$0x18200] =	vst v63  }
0xa1: {  	s13 =	simm.s32 $0x14A00  }
0xa2: {  	[tilespmem:s13], [sflag:$0x1] =	stream.indirect_vreg.gather [hbm4b:s6+s3], $0x80, v3, vm0, $0xb8;
	[tilespmem:$0x18200] =	vst v63  }
0xa3: {  	v3 =	vld [tilespmem:$0xB0];
	_ =	sdelay $0x4  }
0xa4: {  	v55 =	vshrl.u32 v3, $0x3  }
0xa5: {  	v4 =	vmul.u32 $0x30, v55  }
0xa6: {  	v3 =	vand.u32 $0x7, v3  }
0xa7: {  	v3 =	vor.u32 v3, v4  }
0xa8: {  	v4 =	vperm.xlane v3, v0;
	_ =	sdelay $0x1  }
0xa9: {  	v4 =	vadd.s32 v1, v4;
	_ =	sdelay $0x3  }
0xaa: {  	s13 =	simm.s32 $0x15200;
	v3 =	vperm.xlane v3, v2  }
0xab: {  	[tilespmem:s13], [sflag:$0x1] =	stream.indirect_vreg.gather [hbm4b:s2+s3], $0x80, v4, vm0, $0xb8;
	[tilespmem:$0x18200] =	vst v63  }
0xac: {  	v3 =	vadd.s32 v1, v3;
	s13 =	simm.s32 $0x15A00  }
0xad: {  	[tilespmem:s13], [sflag:$0x1] =	stream.indirect_vreg.gather [hbm4b:s5+s3], $0x80, v4, vm0, $0xb8;
	[tilespmem:$0x18200] =	vst v63  }
0xae: {  	s13 =	simm.s32 $0x16200  }
0xaf: {  	[tilespmem:s13], [sflag:$0x1] =	stream.indirect_vreg.gather [hbm4b:s6+s3], $0x80, v4, vm0, $0xb8;
	[tilespmem:$0x18200] =	vst v63  }
0xb0: {  	s13 =	simm.s32 $0x16A00  }
0xb1: {  	[tilespmem:s13], [sflag:$0x1] =	stream.indirect_vreg.gather [hbm4b:s2+s3], $0x80, v3, vm0, $0xb8;
	[tilespmem:$0x18200] =	vst v63  }
0xb2: {  	s13 =	simm.s32 $0x17200  }
0xb3: {  	[tilespmem:s13], [sflag:$0x1] =	stream.indirect_vreg.gather [hbm4b:s5+s3], $0x80, v3, vm0, $0xb8;
	[tilespmem:$0x18200] =	vst v63  }
0xb4: {  	s13 =	simm.s32 $0x17A00  }
0xb5: {  	[tilespmem:s13], [sflag:$0x1] =	stream.indirect_vreg.gather [hbm4b:s6+s3], $0x80, v3, vm0, $0xb8;
	[tilespmem:$0x18200] =	vst v63  }
0xb6: {  	_ =	swait.ge [sflag:s10], $0xC000  }
0xb7: {  	[sflag:s10] =	ssyncset.done $0x0  }
0xb8: {  	[sflag:s10] =	ssyncadd.s32 $0xFFFF4000  }
0xb9: {  	_ =	swait.ge [sflag:s12], $0xC000  }
0xba: {  	[sflag:s12] =	ssyncset.done $0x0  }
0xbb: {  	s13 =	rddreg [dreg:$0x5];
	[sflag:s12] =	ssyncadd.s32 $0xFFFF4000  }
0xbc: {  	[hbm4b:s13+s3] =	stream.linear.scatter [tilespmem:s0], [sflag:$0x2], $0xC000, $0x38;
	[tilespmem:$0x18200] =	vst v63  }
0xbd: {  	v3 =	vld [tilespmem:$0x100];
	_ =	sdelay $0x4  }
0xbe: {  	v56 =	vshrl.u32 v3, $0x3  }
0xbf: {  	v4 =	vmul.u32 $0x30, v56  }
0xc0: {  	v3 =	vand.u32 $0x7, v3  }
0xc1: {  	v3 =	vor.u32 v3, v4  }
0xc2: {  	v4 =	vperm.xlane v3, v0;
	_ =	sdelay $0x1  }
0xc3: {  	v4 =	vadd.s32 v1, v4;
	_ =	sdelay $0x3  }
0xc4: {  	v3 =	vperm.xlane v3, v2  }
0xc5: {  	[tilespmem:s4], [sflag:$0x1] =	stream.indirect_vreg.gather [hbm4b:s2+s3], $0x80, v4, vm0, $0xb8;
	[tilespmem:$0x18200] =	vst v63  }
0xc6: {  	v3 =	vadd.s32 v1, v3  }
0xc7: {  	[tilespmem:s14], [sflag:$0x1] =	stream.indirect_vreg.gather [hbm4b:s5+s3], $0x80, v4, vm0, $0xb8;
	[tilespmem:$0x18200] =	vst v63  }
0xc8: {  	_ = 	snop  }
0xc9: {  	[tilespmem:s15], [sflag:$0x1] =	stream.indirect_vreg.gather [hbm4b:s6+s3], $0x80, v4, vm0, $0xb8;
	[tilespmem:$0x18200] =	vst v63  }
0xca: {  	_ = 	snop  }
0xcb: {  	[tilespmem:s16], [sflag:$0x1] =	stream.indirect_vreg.gather [hbm4b:s2+s3], $0x80, v3, vm0, $0xb8;
	[tilespmem:$0x18200] =	vst v63  }
0xcc: {  	_ = 	snop  }
0xcd: {  	[tilespmem:s17], [sflag:$0x1] =	stream.indirect_vreg.gather [hbm4b:s5+s3], $0x80, v3, vm0, $0xb8;
	[tilespmem:$0x18200] =	vst v63  }
0xce: {  	_ = 	snop  }
0xcf: {  	[tilespmem:s18], [sflag:$0x1] =	stream.indirect_vreg.gather [hbm4b:s6+s3], $0x80, v3, vm0, $0xb8;
	[tilespmem:$0x18200] =	vst v63  }
0xd0: {  	v3 =	vld [tilespmem:$0x110];
	_ =	sdelay $0x4  }
0xd1: {  	v57 =	vshrl.u32 v3, $0x3  }
0xd2: {  	v4 =	vmul.u32 $0x30, v57  }
0xd3: {  	v3 =	vand.u32 $0x7, v3  }
0xd4: {  	v3 =	vor.u32 v3, v4  }
0xd5: {  	v4 =	vperm.xlane v3, v0;
	_ =	sdelay $0x1  }
0xd6: {  	v4 =	vadd.s32 v1, v4;
	_ =	sdelay $0x3  }
0xd7: {  	v3 =	vperm.xlane v3, v2  }
0xd8: {  	[tilespmem:s19], [sflag:$0x1] =	stream.indirect_vreg.gather [hbm4b:s2+s3], $0x80, v4, vm0, $0xb8;
	[tilespmem:$0x18200] =	vst v63  }
0xd9: {  	v3 =	vadd.s32 v1, v3  }
0xda: {  	[tilespmem:s20], [sflag:$0x1] =	stream.indirect_vreg.gather [hbm4b:s5+s3], $0x80, v4, vm0, $0xb8;
	[tilespmem:$0x18200] =	vst v63  }
0xdb: {  	_ = 	snop  }
0xdc: {  	[tilespmem:s21], [sflag:$0x1] =	stream.indirect_vreg.gather [hbm4b:s6+s3], $0x80, v4, vm0, $0xb8;
	[tilespmem:$0x18200] =	vst v63  }
0xdd: {  	_ = 	snop  }
0xde: {  	[tilespmem:s22], [sflag:$0x1] =	stream.indirect_vreg.gather [hbm4b:s2+s3], $0x80, v3, vm0, $0xb8;
	[tilespmem:$0x18200] =	vst v63  }
0xdf: {  	_ = 	snop  }
0xe0: {  	[tilespmem:s23], [sflag:$0x1] =	stream.indirect_vreg.gather [hbm4b:s5+s3], $0x80, v3, vm0, $0xb8;
	[tilespmem:$0x18200] =	vst v63  }
0xe1: {  	_ = 	snop  }
0xe2: {  	[tilespmem:s24], [sflag:$0x1] =	stream.indirect_vreg.gather [hbm4b:s6+s3], $0x80, v3, vm0, $0xb8;
	[tilespmem:$0x18200] =	vst v63  }
0xe3: {  	v3 =	vld [tilespmem:$0x120];
	_ =	sdelay $0x4  }
0xe4: {  	v58 =	vshrl.u32 v3, $0x3  }
0xe5: {  	v4 =	vmul.u32 $0x30, v58  }
0xe6: {  	v3 =	vand.u32 $0x7, v3  }
0xe7: {  	v3 =	vor.u32 v3, v4  }
0xe8: {  	v4 =	vperm.xlane v3, v0;
	_ =	sdelay $0x1  }
0xe9: {  	v4 =	vadd.s32 v1, v4;
	_ =	sdelay $0x3  }
0xea: {  	v3 =	vperm.xlane v3, v2  }
0xeb: {  	[tilespmem:s25], [sflag:$0x1] =	stream.indirect_vreg.gather [hbm4b:s2+s3], $0x80, v4, vm0, $0xb8;
	[tilespmem:$0x18200] =	vst v63  }
0xec: {  	v3 =	vadd.s32 v1, v3  }
0xed: {  	[tilespmem:s26], [sflag:$0x1] =	stream.indirect_vreg.gather [hbm4b:s5+s3], $0x80, v4, vm0, $0xb8;
	[tilespmem:$0x18200] =	vst v63  }
0xee: {  	_ = 	snop  }
0xef: {  	[tilespmem:s28], [sflag:$0x1] =	stream.indirect_vreg.gather [hbm4b:s6+s3], $0x80, v4, vm0, $0xb8;
	[tilespmem:$0x18200] =	vst v63  }
0xf0: {  	_ = 	snop  }
0xf1: {  	[tilespmem:s29], [sflag:$0x1] =	stream.indirect_vreg.gather [hbm4b:s2+s3], $0x80, v3, vm0, $0xb8;
	[tilespmem:$0x18200] =	vst v63  }
0xf2: {  	_ = 	snop  }
0xf3: {  	[tilespmem:s30], [sflag:$0x1] =	stream.indirect_vreg.gather [hbm4b:s5+s3], $0x80, v3, vm0, $0xb8;
	[tilespmem:$0x18200] =	vst v63  }
0xf4: {  	_ = 	snop  }
0xf5: {  	[tilespmem:s31], [sflag:$0x1] =	stream.indirect_vreg.gather [hbm4b:s6+s3], $0x80, v3, vm0, $0xb8;
	[tilespmem:$0x18200] =	vst v63  }
0xf6: {  	v3 =	vld [tilespmem:$0x130];
	_ =	sdelay $0x4  }
0xf7: {  	v59 =	vshrl.u32 v3, $0x3  }
0xf8: {  	v4 =	vmul.u32 $0x30, v59  }
0xf9: {  	v3 =	vand.u32 $0x7, v3  }
0xfa: {  	v3 =	vor.u32 v3, v4  }
0xfb: {  	v4 =	vperm.xlane v3, v0;
	_ =	sdelay $0x1  }
0xfc: {  	v4 =	vadd.s32 v1, v4;
	_ =	sdelay $0x3  }
0xfd: {  	v3 =	vperm.xlane v3, v2  }
0xfe: {  	[tilespmem:s1], [sflag:$0x1] =	stream.indirect_vreg.gather [hbm4b:s2+s3], $0x80, v4, vm0, $0xb8;
	[tilespmem:$0x18200] =	vst v63  }
0xff: {  	s13 =	simm.s32 $0x9A00;
	v3 =	vadd.s32 v1, v3  }
0x100: {  	[tilespmem:s13], [sflag:$0x1] =	stream.indirect_vreg.gather [hbm4b:s5+s3], $0x80, v4, vm0, $0xb8;
	[tilespmem:$0x18200] =	vst v63  }
0x101: {  	_ = 	snop  }
0x102: {  	[tilespmem:s11], [sflag:$0x1] =	stream.indirect_vreg.gather [hbm4b:s6+s3], $0x80, v4, vm0, $0xb8;
	[tilespmem:$0x18200] =	vst v63  }
0x103: {  	_ = 	snop  }
0x104: {  	[tilespmem:s8], [sflag:$0x1] =	stream.indirect_vreg.gather [hbm4b:s2+s3], $0x80, v3, vm0, $0xb8;
	[tilespmem:$0x18200] =	vst v63  }
0x105: {  	_ = 	snop  }
0x106: {  	[tilespmem:s9], [sflag:$0x1] =	stream.indirect_vreg.gather [hbm4b:s5+s3], $0x80, v3, vm0, $0xb8;
	[tilespmem:$0x18200] =	vst v63  }
0x107: {  	s13 =	simm.s32 $0xBA00  }
0x108: {  	[tilespmem:s13], [sflag:$0x1] =	stream.indirect_vreg.gather [hbm4b:s6+s3], $0x80, v3, vm0, $0xb8;
	[tilespmem:$0x18200] =	vst v63  }
0x109: {  	_ =	swait.ge [sflag:s10], $0xC000  }
0x10a: {  	[sflag:s10] =	ssyncset.done $0x0  }
0x10b: {  	[sflag:s10] =	ssyncadd.s32 $0xFFFF4000  }
0x10c: {  	_ =	swait.ge [sflag:s12], $0xC000  }
0x10d: {  	[sflag:s12] =	ssyncset.done $0x0  }
0x10e: {  	s1 =	rddreg [dreg:$0x6];
	[sflag:s12] =	ssyncadd.s32 $0xFFFF4000  }
0x10f: {  	[hbm4b:s1+s3] =	stream.linear.scatter [tilespmem:s4], [sflag:$0x2], $0xC000, $0x38;
	[tilespmem:$0x18200] =	vst v63  }
0x110: {  	v3 =	vld [tilespmem:$0x180];
	_ =	sdelay $0x4  }
0x111: {  	v60 =	vshrl.u32 v3, $0x3  }
0x112: {  	v4 =	vmul.u32 $0x30, v60  }
0x113: {  	v3 =	vand.u32 $0x7, v3  }
0x114: {  	v3 =	vor.u32 v3, v4  }
0x115: {  	v4 =	vperm.xlane v3, v0;
	_ =	sdelay $0x1  }
0x116: {  	v4 =	vadd.s32 v1, v4;
	_ =	sdelay $0x3  }
0x117: {  	v3 =	vperm.xlane v3, v2  }
0x118: {  	[tilespmem:s0], [sflag:$0x1] =	stream.indirect_vreg.gather [hbm4b:s2+s3], $0x80, v4, vm0, $0xb8;
	[tilespmem:$0x18200] =	vst v63  }
0x119: {  	s13 =	simm.s32 $0xCA00;
	v3 =	vadd.s32 v1, v3  }
0x11a: {  	[tilespmem:s13], [sflag:$0x1] =	stream.indirect_vreg.gather [hbm4b:s5+s3], $0x80, v4, vm0, $0xb8;
	[tilespmem:$0x18200] =	vst v63  }
0x11b: {  	s13 =	simm.s32 $0xD200  }
0x11c: {  	[tilespmem:s13], [sflag:$0x1] =	stream.indirect_vreg.gather [hbm4b:s6+s3], $0x80, v4, vm0, $0xb8;
	[tilespmem:$0x18200] =	vst v63  }
0x11d: {  	s13 =	simm.s32 $0xDA00  }
0x11e: {  	[tilespmem:s13], [sflag:$0x1] =	stream.indirect_vreg.gather [hbm4b:s2+s3], $0x80, v3, vm0, $0xb8;
	[tilespmem:$0x18200] =	vst v63  }
0x11f: {  	s13 =	simm.s32 $0xE200  }
0x120: {  	[tilespmem:s13], [sflag:$0x1] =	stream.indirect_vreg.gather [hbm4b:s5+s3], $0x80, v3, vm0, $0xb8;
	[tilespmem:$0x18200] =	vst v63  }
0x121: {  	s13 =	simm.s32 $0xEA00  }
0x122: {  	[tilespmem:s13], [sflag:$0x1] =	stream.indirect_vreg.gather [hbm4b:s6+s3], $0x80, v3, vm0, $0xb8;
	[tilespmem:$0x18200] =	vst v63  }
0x123: {  	v3 =	vld [tilespmem:$0x190];
	_ =	sdelay $0x4  }
0x124: {  	v61 =	vshrl.u32 v3, $0x3  }
0x125: {  	v4 =	vmul.u32 $0x30, v61  }
0x126: {  	v3 =	vand.u32 $0x7, v3  }
0x127: {  	v3 =	vor.u32 v3, v4  }
0x128: {  	v4 =	vperm.xlane v3, v0;
	_ =	sdelay $0x1  }
0x129: {  	v4 =	vadd.s32 v1, v4;
	_ =	sdelay $0x3  }
0x12a: {  	s13 =	simm.s32 $0xF200;
	v3 =	vperm.xlane v3, v2  }
0x12b: {  	[tilespmem:s13], [sflag:$0x1] =	stream.indirect_vreg.gather [hbm4b:s2+s3], $0x80, v4, vm0, $0xb8;
	[tilespmem:$0x18200] =	vst v63  }
0x12c: {  	v3 =	vadd.s32 v1, v3;
	s13 =	simm.s32 $0xFA00  }
0x12d: {  	[tilespmem:s13], [sflag:$0x1] =	stream.indirect_vreg.gather [hbm4b:s5+s3], $0x80, v4, vm0, $0xb8;
	[tilespmem:$0x18200] =	vst v63  }
0x12e: {  	s13 =	simm.s32 $0x10200  }
0x12f: {  	[tilespmem:s13], [sflag:$0x1] =	stream.indirect_vreg.gather [hbm4b:s6+s3], $0x80, v4, vm0, $0xb8;
	[tilespmem:$0x18200] =	vst v63  }
0x130: {  	s13 =	simm.s32 $0x10A00  }
0x131: {  	[tilespmem:s13], [sflag:$0x1] =	stream.indirect_vreg.gather [hbm4b:s2+s3], $0x80, v3, vm0, $0xb8;
	[tilespmem:$0x18200] =	vst v63  }
0x132: {  	s13 =	simm.s32 $0x11200  }
0x133: {  	[tilespmem:s13], [sflag:$0x1] =	stream.indirect_vreg.gather [hbm4b:s5+s3], $0x80, v3, vm0, $0xb8;
	[tilespmem:$0x18200] =	vst v63  }
0x134: {  	s13 =	simm.s32 $0x11A00  }
0x135: {  	[tilespmem:s13], [sflag:$0x1] =	stream.indirect_vreg.gather [hbm4b:s6+s3], $0x80, v3, vm0, $0xb8;
	[tilespmem:$0x18200] =	vst v63  }
0x136: {  	v3 =	vld [tilespmem:$0x1A0];
	_ =	sdelay $0x4  }
0x137: {  	v62 =	vshrl.u32 v3, $0x3  }
0x138: {  	v4 =	vmul.u32 $0x30, v62  }
0x139: {  	v3 =	vand.u32 $0x7, v3  }
0x13a: {  	v3 =	vor.u32 v3, v4  }
0x13b: {  	v4 =	vperm.xlane v3, v0;
	_ =	sdelay $0x1  }
0x13c: {  	v4 =	vadd.s32 v1, v4;
	_ =	sdelay $0x3  }
0x13d: {  	s13 =	simm.s32 $0x12200;
	v3 =	vperm.xlane v3, v2  }
0x13e: {  	[tilespmem:s13], [sflag:$0x1] =	stream.indirect_vreg.gather [hbm4b:s2+s3], $0x80, v4, vm0, $0xb8;
	[tilespmem:$0x18200] =	vst v63  }
0x13f: {  	v3 =	vadd.s32 v1, v3;
	s13 =	simm.s32 $0x12A00  }
0x140: {  	[tilespmem:s13], [sflag:$0x1] =	stream.indirect_vreg.gather [hbm4b:s5+s3], $0x80, v4, vm0, $0xb8;
	[tilespmem:$0x18200] =	vst v63  }
0x141: {  	s13 =	simm.s32 $0x13200  }
0x142: {  	[tilespmem:s13], [sflag:$0x1] =	stream.indirect_vreg.gather [hbm4b:s6+s3], $0x80, v4, vm0, $0xb8;
	[tilespmem:$0x18200] =	vst v63  }
0x143: {  	s13 =	simm.s32 $0x13A00  }
0x144: {  	[tilespmem:s13], [sflag:$0x1] =	stream.indirect_vreg.gather [hbm4b:s2+s3], $0x80, v3, vm0, $0xb8;
	[tilespmem:$0x18200] =	vst v63  }
0x145: {  	s13 =	simm.s32 $0x14200  }
0x146: {  	[tilespmem:s13], [sflag:$0x1] =	stream.indirect_vreg.gather [hbm4b:s5+s3], $0x80, v3, vm0, $0xb8;
	[tilespmem:$0x18200] =	vst v63  }
0x147: {  	s13 =	simm.s32 $0x14A00  }
0x148: {  	[tilespmem:s13], [sflag:$0x1] =	stream.indirect_vreg.gather [hbm4b:s6+s3], $0x80, v3, vm0, $0xb8;
	[tilespmem:$0x18200] =	vst v63  }
0x149: {  	v3 =	vld [tilespmem:$0x1B0];
	_ =	sdelay $0x4  }
0x14a: {  	v63 =	vshrl.u32 v3, $0x3  }
0x14b: {  	v4 =	vmul.u32 $0x30, v63  }
0x14c: {  	v3 =	vand.u32 $0x7, v3  }
0x14d: {  	v3 =	vor.u32 v3, v4  }
0x14e: {  	v4 =	vperm.xlane v3, v0;
	_ =	sdelay $0x1  }
0x14f: {  	v4 =	vadd.s32 v1, v4;
	_ =	sdelay $0x3  }
0x150: {  	s13 =	simm.s32 $0x15200;
	v3 =	vperm.xlane v3, v2  }
0x151: {  	[tilespmem:s13], [sflag:$0x1] =	stream.indirect_vreg.gather [hbm4b:s2+s3], $0x80, v4, vm0, $0xb8;
	[tilespmem:$0x18200] =	vst v63  }
0x152: {  	v3 =	vadd.s32 v1, v3;
	s13 =	simm.s32 $0x15A00  }
0x153: {  	[tilespmem:s13], [sflag:$0x1] =	stream.indirect_vreg.gather [hbm4b:s5+s3], $0x80, v4, vm0, $0xb8;
	[tilespmem:$0x18200] =	vst v63  }
0x154: {  	s13 =	simm.s32 $0x16200  }
0x155: {  	[tilespmem:s13], [sflag:$0x1] =	stream.indirect_vreg.gather [hbm4b:s6+s3], $0x80, v4, vm0, $0xb8;
	[tilespmem:$0x18200] =	vst v63  }
0x156: {  	s13 =	simm.s32 $0x16A00  }
0x157: {  	[tilespmem:s13], [sflag:$0x1] =	stream.indirect_vreg.gather [hbm4b:s2+s3], $0x80, v3, vm0, $0xb8;
	[tilespmem:$0x18200] =	vst v63  }
0x158: {  	s13 =	simm.s32 $0x17200  }
0x159: {  	[tilespmem:s13], [sflag:$0x1] =	stream.indirect_vreg.gather [hbm4b:s5+s3], $0x80, v3, vm0, $0xb8;
	[tilespmem:$0x18200] =	vst v63  }
0x15a: {  	s13 =	simm.s32 $0x17A00  }
0x15b: {  	[tilespmem:s13], [sflag:$0x1] =	stream.indirect_vreg.gather [hbm4b:s6+s3], $0x80, v3, vm0, $0xb8;
	[tilespmem:$0x18200] =	vst v63  }
0x15c: {  	_ =	swait.ge [sflag:s10], $0xC000  }
0x15d: {  	[sflag:s10] =	ssyncset.done $0x0  }
0x15e: {  	[sflag:s10] =	ssyncadd.s32 $0xFFFF4000  }
0x15f: {  	_ =	swait.ge [sflag:s12], $0xC000  }
0x160: {  	p0 =	sne.s32 s7, $0x1;
	[sflag:s12] =	ssyncset.done $0x0  }
.Ltmp0:
0x161: {  	s1 =	rddreg [dreg:$0x7];
	[sflag:s12] =	ssyncadd.s32 $0xFFFF4000;
	(pc) =	sbr.rel @p0 .LBB2_1-.Ltmp0, $4  }
0x162: {  	[hbm4b:s1+s3] =	stream.linear.scatter [tilespmem:s0], [sflag:$0x2], $0xC000, $0x38;
	[tilespmem:$0x18200] =	vst v63  }
0x163: {  	_ =	swait.ge [sflag:s12], $0xC000  }
0x164: {  	[sflag:s12] =	ssyncset.done $0x0  }
0x165: {  	s7 =	sadd.s32 $0xFFFFFFFF, s7;
	[sflag:s12] =	ssyncadd.s32 $0xFFFF4000  }
0x166: {  	_ =	sfence.sel $0x180000  }
0x167: {  	[bflag:$0x0] =	sbarrier.arrive $0xFFFF  }
0x168: {  	_ =	strace $0x90000047  }
0x169: {  	s0 =	stileid.u32;
	[bflag:$0x2] =	sbarrier.arrive $0xFFFF  }
0x16a: {  	p0 =	sne.s32 s0, $0x0;
	s0 =	rddreg [dreg:$0x3]  }
0x16b: {  	s0 =	sadd.s32 @!p0 $0x100000, s0  }
0x16c: {  	[sflag:s0] =	ssyncadd.tile.s32 @!p0 $0x1;
	_ =	shalt  }
.Lfunc_end2:
_tile_overlayer_lowered:
.L_overlay_start_2:
0x16d: {  	(tag) =	ssettag $0x2  }
0x16e: {  	s0 =	rddreg [dreg:$0x0];
	s2 =	stileid.u32  }
0x16f: {  	s1 =	rddreg [dreg:$0x1];
	p0 =	sne.s32 s2, $0x0  }
0x170: {  	s3 =	rddreg [dreg:$0x2];
	[bflag:$0x3] =	sbarrier.arrive $0xFFFF;
	s2 =	simm.s32 @!p0 $0x1C03  }
0x171: {  	[timem:s3], [sflag:s2] =	dma.local @!p0 [hbm:s0], s1  }
0x172: {  	s0 =	simm.s32 @!p0 $0x3  }
0x173: {  	_ =	swait.ge @!p0 [sflag:s0], s1  }
0x174: {  	s1 =	ssub.s32 @!p0 $0x0, s1;
	[sflag:s0] =	ssyncset.done @!p0 $0x0  }
0x175: {  	[sflag:s0] =	ssyncadd.s32 @!p0 s1  }
0x176: {  	[bflag:$0x3] =	sbarrier.arrive $0xFFFF  }
0x177: {  	_ =	shalt  }

</sc_bundles>
